<compile_context>
chip_gen: v7x
topology: tpu7x:2x2x1
jax: 0.10.2.dev20260603
libtpu: 0.0.44.dev20260713+nightly
codegen_flags: <defaults>
</compile_context>

<pallas_src>
import jax
import jax.numpy as jnp
from jax import lax
from jax.experimental import pallas as pl
from jax.experimental.pallas import tpu as pltpu
from jax.experimental.pallas import tpu_sc as plsc

N = 10000
E = 320000
D = 128
NP = 10112
P = 3
C = 32

XS = 80
X1 = D - XS
W0 = 80
W1R = 64
GB = X1

NS = 16
K = 128
ER = 2512
NCH = ER // NS
RPT = NP // NS


def _sc_body(eij_hbm, t0_hbm, t1_hbm, pp_hbm, z0_hbm, z1_hbm,
             s0_out, s1_out,
             eij3, rb0, rb1, pbi, s0_sh, s1_sh, gsem, psem, isem, ssem):
    c = lax.axis_index("c")
    s = lax.axis_index("s")
    lanes = lax.iota(jnp.int32, 16)
    r0 = s * RPT

    for j in range(4):
        @pl.when(c == 0)
        def _():
            pltpu.sync_copy(z0_hbm, s0_sh.at[pl.ds(r0 + j * 128, 128)])

        @pl.when(c == 1)
        def _():
            pltpu.sync_copy(z1_hbm, s1_sh.at[pl.ds(r0 + j * 128, 128)])

    @pl.when(c == 0)
    def _():
        pltpu.sync_copy(z0_hbm.at[pl.ds(0, RPT - 512)],
                        s0_sh.at[pl.ds(r0 + 512, RPT - 512)])

    @pl.when(c == 1)
    def _():
        pltpu.sync_copy(z1_hbm.at[pl.ds(0, RPT - 512)],
                        s1_sh.at[pl.ds(r0 + 512, RPT - 512)])

    plsc.subcore_barrier()

    def issue_idx(m, slot):
        r = s + 16 * m
        pltpu.async_copy(eij_hbm.at[pl.ds(r, 1)], eij3.at[pl.ds(slot, 1)],
                         isem)

    def wait_idx():
        pltpu.make_async_copy(
            eij_hbm.at[pl.ds(0, 1)], eij3.at[pl.ds(0, 1)], isem).wait()

    def issue_rows(b, slot):
        @pl.when(c == 0)
        def _():
            pltpu.async_copy(t0_hbm.at[eij3.at[slot, 1]], rb0.at[b], gsem)

        @pl.when(c == 1)
        def _():
            pltpu.async_copy(t1_hbm.at[eij3.at[slot, 1]], rb1.at[b], gsem)

    def issue_pbi(slot):
        @pl.when(c == 1)
        def _():
            pltpu.async_copy(pp_hbm.at[eij3.at[slot, 0]], pbi, psem)

    def issue_gather(b, slot):
        issue_rows(b, slot)
        issue_pbi(slot)

    def wait_gather():
        @pl.when(c == 0)
        def _():
            pltpu.make_async_copy(
                t0_hbm.at[eij3.at[0, 1]], rb0.at[0], gsem).wait()

        @pl.when(c == 1)
        def _():
            pltpu.make_async_copy(
                t1_hbm.at[eij3.at[0, 1]], rb1.at[0], gsem).wait()
            pltpu.make_async_copy(
                pp_hbm.at[eij3.at[0, 0]], pbi, psem).wait()

    def issue_scatter(b, slot):
        @pl.when(c == 0)
        def _():
            pltpu.async_copy(rb0.at[b], s0_sh.at[eij3.at[slot, 0]], ssem,
                             add=True)

        @pl.when(c == 1)
        def _():
            pltpu.async_copy(rb1.at[b], s1_sh.at[eij3.at[slot, 0]], ssem,
                             add=True)

    def wait_scatter():
        @pl.when(c == 0)
        def _():
            pltpu.make_async_copy(
                rb0.at[0], s0_sh.at[eij3.at[0, 0]], ssem).wait()

        @pl.when(c == 1)
        def _():
            pltpu.make_async_copy(
                rb1.at[0], s1_sh.at[eij3.at[0, 0]], ssem).wait()

    pltpu.sync_copy(eij_hbm.at[pl.ds(s, 1)], eij3.at[pl.ds(0, 1)])
    issue_gather(0, 0)
    issue_idx(1, 1)

    def step(m, carry):
        b = lax.rem(m, 2)
        nb = 1 - b
        s_cur = lax.rem(m, 3)
        s_nxt = lax.rem(m + 1, 3)
        s_new = lax.rem(m + 2, 3)

        wait_gather()

        @pl.when(m > 0)
        def _():
            wait_scatter()

        @pl.when(m < NCH - 1)
        def _():
            wait_idx()
            issue_rows(nb, s_nxt)

        @pl.when(m < NCH - 2)
        def _():
            issue_idx(m + 2, s_new)

        @pl.when(c == 1)
        def _():
            bvec = jnp.full((16,), 0, jnp.int32) + b
            for tt in range(K // 16):
                rows = tt * 16 + lanes
                col0 = jnp.zeros((16,), jnp.int32)
                pix = plsc.load_gather(pbi, [rows, col0])
                piy = plsc.load_gather(pbi, [rows, col0 + 1])
                piz = plsc.load_gather(pbi, [rows, col0 + 2])
                pjx = plsc.load_gather(rb1, [bvec, rows, col0 + GB])
                pjy = plsc.load_gather(rb1, [bvec, rows, col0 + GB + 1])
                pjz = plsc.load_gather(rb1, [bvec, rows, col0 + GB + 2])
                dx = pjx - pix
                dy = pjy - piy
                dz = pjz - piz
                d2 = dx * dx + dy * dy + dz * dz
                yi = jnp.int32(0x5F3759DF) - lax.shift_right_logical(
                    plsc.bitcast(d2, jnp.int32), 1)
                y = plsc.bitcast(yi, jnp.float32)
                h = d2 * 0.5
                for _ in range(3):
                    y = y * (1.5 - h * y * y)
                one = jnp.full((16,), 1.0, jnp.float32)
                plsc.store_scatter(rb1, [bvec, rows, col0 + GB], one)
                plsc.store_scatter(rb1, [bvec, rows, col0 + GB + 1], d2 * y)
                plsc.store_scatter(rb1, [bvec, rows, col0 + GB + 2], dx * y)
                plsc.store_scatter(rb1, [bvec, rows, col0 + GB + 3], dy * y)
                plsc.store_scatter(rb1, [bvec, rows, col0 + GB + 4], dz * y)

        @pl.when(m < NCH - 1)
        def _():
            issue_pbi(s_nxt)

        issue_scatter(b, s_cur)

        return carry

    lax.fori_loop(0, NCH, step, 0)

    wait_scatter()
    plsc.subcore_barrier()

    @pl.when(c == 0)
    def _():
        pltpu.sync_copy(s0_sh.at[pl.ds(r0, RPT)], s0_out.at[pl.ds(r0, RPT)])

    @pl.when(c == 1)
    def _():
        pltpu.sync_copy(s1_sh.at[pl.ds(r0, RPT)], s1_out.at[pl.ds(r0, RPT)])


def _sc_segment_sums(eij, t0, t1, pp, z0, z1):
    mesh = plsc.VectorSubcoreMesh(core_axis_name="c", subcore_axis_name="s")
    return pl.kernel(
        _sc_body,
        out_type=(
            jax.ShapeDtypeStruct((NP, W0), jnp.float32),
            jax.ShapeDtypeStruct((NP, W1R), jnp.float32),
        ),
        mesh=mesh,
        compiler_params=pltpu.CompilerParams(
            needs_layout_passes=False, use_tc_tiling_on_sc=False),
        scratch_types=[
            pltpu.VMEM((3, 2, K), jnp.int32),
            pltpu.VMEM((2, K, W0), jnp.float32),
            pltpu.VMEM((2, K, W1R), jnp.float32),
            pltpu.VMEM((K, 16), jnp.float32),
            pltpu.VMEM_SHARED((NP, W0), jnp.float32),
            pltpu.VMEM_SHARED((NP, W1R), jnp.float32),
            pltpu.SemaphoreType.DMA,
            pltpu.SemaphoreType.DMA,
            pltpu.SemaphoreType.DMA,
            pltpu.SemaphoreType.DMA,
        ],
    )(eij, t0, t1, pp, z0, z1)


def _tc_body(s0_ref, s1_ref, x_ref, w1p_ref, b1_ref, a1_ref, ba1_ref,
             w2a_ref, w2b0_ref, w2b1_ref, w2cp_ref, w2d_ref, b2_ref,
             a2a_ref, a2b_ref, ba2_ref, out_ref):
    f32 = jnp.float32
    s0 = s0_ref[...]
    s1 = s1_ref[...]
    g = s1[:, GB:GB + 16]
    cnt = g[:, :1]
    inv = 1.0 / jnp.maximum(cnt, 1.0)
    has = jnp.minimum(cnt, 1.0)
    aggr1 = jnp.dot(g, w1p_ref[...], preferred_element_type=f32) * inv \
        + has * b1_ref[...]
    ctx = jnp.dot(aggr1, a1_ref[...], preferred_element_type=f32) + ba1_ref[...]
    t = jnp.dot(x_ref[...], w2a_ref[...], preferred_element_type=f32) \
        + jnp.dot(ctx, w2d_ref[...], preferred_element_type=f32) + b2_ref[...]
    sterm = jnp.dot(s0, w2b0_ref[...], preferred_element_type=f32) \
        + jnp.dot(s1[:, :X1], w2b1_ref[...], preferred_element_type=f32)
    aggr2 = (cnt * t + sterm
             + jnp.dot(g, w2cp_ref[...], preferred_element_type=f32)) * inv
    out_ref[...] = jnp.dot(aggr2, a2a_ref[...], preferred_element_type=f32) \
        + jnp.dot(ctx, a2b_ref[...], preferred_element_type=f32) + ba2_ref[...]


def _tc_combine(s0, s1, x, w1p, b1, a1, ba1, wx, w2b0, w2b1, w2cp, w2d, b2,
                a2a, a2b, ba2):
    bn = 1000
    grid = (N // bn,)
    full = lambda shape: pl.BlockSpec(shape, lambda i: (0,) * len(shape))
    return pl.pallas_call(
        _tc_body,
        grid=grid,
        in_specs=[
            pl.BlockSpec((bn, W0), lambda i: (i, 0)),
            pl.BlockSpec((bn, W1R), lambda i: (i, 0)),
            pl.BlockSpec((bn, D), lambda i: (i, 0)),
            full((16, C)), full((1, C)), full((C, C)), full((1, C)),
            full((D, D)), full((XS, D)), full((X1, D)), full((16, D)),
            full((C, D)), full((1, D)), full((D, D)), full((C, D)),
            full((1, D)),
        ],
        out_specs=pl.BlockSpec((bn, D), lambda i: (i, 0)),
        out_shape=jax.ShapeDtypeStruct((N, D), jnp.float32),
    )(s0, s1, x, w1p, b1, a1, ba1, wx, w2b0, w2b1, w2cp, w2d, b2,
      a2a, a2b, ba2)


def kernel(x, edge_index, pos, W1, b1, A1, bA1, W2, b2, A2, bA2):
    ei = edge_index[0]
    ej = edge_index[1]
    npad = ER * K - E
    eip = jnp.concatenate([ei, jnp.full((npad,), NP - 1, jnp.int32)])
    ejp = jnp.concatenate([ej, jnp.zeros((npad,), jnp.int32)])
    eij = jnp.stack([eip.reshape(ER, K), ejp.reshape(ER, K)], axis=1)
    t0 = x[:, :XS]
    t1 = jnp.concatenate(
        [x[:, XS:], pos, jnp.zeros((N, W1R - X1 - P), jnp.float32)], axis=1)
    pp = jnp.zeros((NP, 16), jnp.float32).at[:N, :P].set(pos)
    z0 = jnp.zeros((128, W0), jnp.float32)
    z1 = jnp.zeros((128, W1R), jnp.float32)

    s0, s1 = _sc_segment_sums(eij, t0, t1, pp, z0, z1)

    w1p = jnp.zeros((16, C), jnp.float32).at[1:1 + P + 1].set(W1)
    wx = W2[:D] - W2[D:2 * D]
    w2b0 = W2[D:D + XS]
    w2b1 = W2[D + XS:2 * D]
    w2cp = jnp.zeros((16, D), jnp.float32).at[1:1 + P + 1].set(
        W2[2 * D:2 * D + P + 1])
    w2d = W2[2 * D + P + 1:]
    a2a = A2[:D]
    a2b = A2[D:]

    return _tc_combine(
        s0, s1, x,
        w1p, b1.reshape(1, C), A1, bA1.reshape(1, C),
        wx, w2b0, w2b1, w2cp, w2d, b2.reshape(1, D),
        a2a, a2b, bA2.reshape(1, D))

# --- scband reference (transcript-rebuilt; emitter-appended) ---
"""Pipeline reference for scband-m3-model-65094524339281 (READ-ONLY COPY).

The authoritative reference and input builder live on the scoring server;
editing this copy changes nothing except your own understanding.
"""

import jax, jax.numpy as jnp
import numpy as np

N = 10000
E = 320000
D = 128
P = 3
C = 32

def setup_inputs(seed: int = 0) -> dict:
    key = jax.random.key(seed)
    ks = jax.random.split(key, 12)
    x = jax.random.normal(ks[0], (N, D), dtype=jnp.float32)
    pos = jax.random.normal(ks[1], (N, P), dtype=jnp.float32)
    src = jax.random.randint(ks[2], (E,), 0, N)
    off = jax.random.randint(ks[3], (E,), 1, N)
    dst = (src + off) % N  # avoid self-loops (zero distance -> NaN in unit vector)
    edge_index = jnp.stack([src, dst]).astype(jnp.int32)
    # L1 msg net: Linear(4, 32); L1 aggr net: Linear(32, 32)
    W1 = jax.random.normal(ks[4], (1 + P, C), dtype=jnp.float32) / np.sqrt(1 + P)
    b1 = jnp.zeros((C,), dtype=jnp.float32)
    A1 = jax.random.normal(ks[5], (C, C), dtype=jnp.float32) / np.sqrt(C)
    bA1 = jnp.zeros((C,), dtype=jnp.float32)
    # L2 msg net: Linear(2*D + 1 + P + C = 292, 128); L2 aggr net: Linear(D + C = 160, 128)
    W2 = jax.random.normal(ks[6], (2 * D + 1 + P + C, D), dtype=jnp.float32) / np.sqrt(2 * D + 1 + P + C)
    b2 = jnp.zeros((D,), dtype=jnp.float32)
    A2 = jax.random.normal(ks[7], (D + C, D), dtype=jnp.float32) / np.sqrt(D + C)
    bA2 = jnp.zeros((D,), dtype=jnp.float32)
    return {"x": x, "edge_index": edge_index, "pos": pos,
            "W1": W1, "b1": b1, "A1": A1, "bA1": bA1,
            "W2": W2, "b2": b2, "A2": A2, "bA2": bA2}

def reference(x, edge_index, pos, W1, b1, A1, bA1, W2, b2, A2, bA2):
    # flow='target_to_source': _i = edge_index[0] (aggregation node), _j = edge_index[1]
    ei = edge_index[0]
    ej = edge_index[1]
    pos_i = pos[ei]
    pos_j = pos[ej]
    diff = pos_j - pos_i
    dist = jnp.linalg.norm(diff, axis=1, keepdims=True)
    unit = diff / dist
    # ---- L1: EdgeConvGeom ----
    m1_in = jnp.concatenate([dist, unit], axis=1)
    m1 = m1_in @ W1 + b1
    ones = jnp.ones((E, 1), dtype=jnp.float32)
    cnt = jax.ops.segment_sum(ones, ei, num_segments=N)
    deg = jnp.maximum(cnt, 1.0)
    aggr1 = jax.ops.segment_sum(m1, ei, num_segments=N) / deg
    ctx = aggr1 @ A1 + bA1
    # ---- L2: EdgeConvWithCtx ----
    x_i = x[ei]
    x_j = x[ej]
    ctx_i = ctx[ei]
    m2_in = jnp.concatenate([x_i, x_j - x_i, dist, unit, ctx_i], axis=1)
    m2 = m2_in @ W2 + b2
    aggr2 = jax.ops.segment_sum(m2, ei, num_segments=N) / deg
    out = jnp.concatenate([aggr2, ctx], axis=1) @ A2 + bA2
    return out

if __name__ == "__main__":
    import jax
    _d = setup_inputs()
    print(jax.jit(kernel)(*tuple(_d.values())))

</pallas_src>

<mosaic_0001>
#map = affine_map<(d0, d1) -> (0, 0, 0)>
#map1 = affine_map<(d0, d1) -> (0, 0)>
module attributes {stable_mosaic.version = 14 : i64} {
  func.func @_sc_body(%arg0: i32, %arg1: i32, %arg2: memref<2512x2x128xi32, #tpu.memory_space<hbm>>, %arg3: memref<10000x80xf32, #tpu.memory_space<hbm>>, %arg4: memref<10000x64xf32, #tpu.memory_space<hbm>>, %arg5: memref<10112x16xf32, #tpu.memory_space<hbm>>, %arg6: memref<128x80xf32, #tpu.memory_space<hbm>>, %arg7: memref<128x64xf32, #tpu.memory_space<hbm>>, %arg8: memref<10112x80xf32, #tpu.memory_space<hbm>>, %arg9: memref<10112x64xf32, #tpu.memory_space<hbm>>, %arg10: memref<3x2x128xi32, #tpu.memory_space<vmem>>, %arg11: memref<2x128x80xf32, #tpu.memory_space<vmem>>, %arg12: memref<2x128x64xf32, #tpu.memory_space<vmem>>, %arg13: memref<128x16xf32, #tpu.memory_space<vmem>>, %arg14: memref<10112x80xf32, #tpu.memory_space<vmem_shared>>, %arg15: memref<10112x64xf32, #tpu.memory_space<vmem_shared>>, %arg16: memref<!tpu.dma_semaphore, #tpu.memory_space<semaphore_mem>>, %arg17: memref<!tpu.dma_semaphore, #tpu.memory_space<semaphore_mem>>, %arg18: memref<!tpu.dma_semaphore, #tpu.memory_space<semaphore_mem>>, %arg19: memref<!tpu.dma_semaphore, #tpu.memory_space<semaphore_mem>>) attributes {dimension_semantics = [#tpu.dimension_semantics<core_parallel>, #tpu.dimension_semantics<subcore_parallel>], iteration_bounds = array<i64: 2, 16>, scalar_prefetch = 0 : i64, scratch_operands = 10 : i64, tpu.core_type = #tpu.core_type<sc_vector_subcore>, window_params = [{transform_indices = #map}, {transform_indices = #map1}, {transform_indices = #map1}, {transform_indices = #map1}, {transform_indices = #map1}, {transform_indices = #map1}, {transform_indices = #map1}, {transform_indices = #map1}]} {
    %iota3A = tpu.iota {dimensions = array<i32: 0>} : vector<16xi32>
    %mul3A = arith.constant 632 : i32
    %mul3A_0 = arith.muli %arg1, %mul3A : i32
    %eq3A = arith.constant 0 : i32
    %eq3A_1 = arith.cmpi eq, %arg0, %eq3A : i32
    %convert_element_type3A = arith.extui %eq3A_1 : i1 to i32
    %cond3A = arith.constant 0 : i32
    %cond3A_2 = arith.cmpi ne, %convert_element_type3A, %cond3A : i32
    scf.if %cond3A_2 {
      %add3A_103 = arith.constant 0 : i32
      %add3A_104 = arith.addi %mul3A_0, %add3A_103 : i32
      "tpu.region"() ({
        %run_scoped3A = tpu.sem_alloc : memref<!tpu.dma_semaphore, #tpu.memory_space<semaphore_mem>>
        %dma_start3A_105 = arith.constant 0 : i32
        %dma_start3A_106 = tpu.memref_slice %arg14[%add3A_104, %dma_start3A_105] : memref<10112x80xf32, #tpu.memory_space<vmem_shared>> -> memref<128x80xf32, #tpu.memory_space<vmem_shared>>
        tpu.enqueue_dma source(%arg6 : memref<128x80xf32, #tpu.memory_space<hbm>>) target(%dma_start3A_106 : memref<128x80xf32, #tpu.memory_space<vmem_shared>>) target_semaphore(%run_scoped3A : memref<!tpu.dma_semaphore, #tpu.memory_space<semaphore_mem>>)
        %dma_wait3A = arith.constant 0 : i32
        %dma_wait3A_107 = tpu.memref_slice %arg14[%add3A_104, %dma_wait3A] : memref<10112x80xf32, #tpu.memory_space<vmem_shared>> -> memref<128x80xf32, #tpu.memory_space<vmem_shared>>
        tpu.wait_dma2 semaphore(%run_scoped3A : memref<!tpu.dma_semaphore, #tpu.memory_space<semaphore_mem>>) src(%arg6 : memref<128x80xf32, #tpu.memory_space<hbm>>) dst(%dma_wait3A_107 : memref<128x80xf32, #tpu.memory_space<vmem_shared>>)
        tpu.yield
      }) : () -> ()
    } else {
    }
    %eq3A_3 = arith.constant 1 : i32
    %eq3A_4 = arith.cmpi eq, %arg0, %eq3A_3 : i32
    %convert_element_type3A_5 = arith.extui %eq3A_4 : i1 to i32
    %cond3A_6 = arith.constant 0 : i32
    %cond3A_7 = arith.cmpi ne, %convert_element_type3A_5, %cond3A_6 : i32
    scf.if %cond3A_7 {
      %add3A_103 = arith.constant 0 : i32
      %add3A_104 = arith.addi %mul3A_0, %add3A_103 : i32
      "tpu.region"() ({
        %run_scoped3A = tpu.sem_alloc : memref<!tpu.dma_semaphore, #tpu.memory_space<semaphore_mem>>
        %dma_start3A_105 = arith.constant 0 : i32
        %dma_start3A_106 = tpu.memref_slice %arg15[%add3A_104, %dma_start3A_105] : memref<10112x64xf32, #tpu.memory_space<vmem_shared>> -> memref<128x64xf32, #tpu.memory_space<vmem_shared>>
        tpu.enqueue_dma source(%arg7 : memref<128x64xf32, #tpu.memory_space<hbm>>) target(%dma_start3A_106 : memref<128x64xf32, #tpu.memory_space<vmem_shared>>) target_semaphore(%run_scoped3A : memref<!tpu.dma_semaphore, #tpu.memory_space<semaphore_mem>>)
        %dma_wait3A = arith.constant 0 : i32
        %dma_wait3A_107 = tpu.memref_slice %arg15[%add3A_104, %dma_wait3A] : memref<10112x64xf32, #tpu.memory_space<vmem_shared>> -> memref<128x64xf32, #tpu.memory_space<vmem_shared>>
        tpu.wait_dma2 semaphore(%run_scoped3A : memref<!tpu.dma_semaphore, #tpu.memory_space<semaphore_mem>>) src(%arg7 : memref<128x64xf32, #tpu.memory_space<hbm>>) dst(%dma_wait3A_107 : memref<128x64xf32, #tpu.memory_space<vmem_shared>>)
        tpu.yield
      }) : () -> ()
    } else {
    }
    %eq3A_8 = arith.constant 0 : i32
    %eq3A_9 = arith.cmpi eq, %arg0, %eq3A_8 : i32
    %convert_element_type3A_10 = arith.extui %eq3A_9 : i1 to i32
    %cond3A_11 = arith.constant 0 : i32
    %cond3A_12 = arith.cmpi ne, %convert_element_type3A_10, %cond3A_11 : i32
    scf.if %cond3A_12 {
      %add3A_103 = arith.constant 128 : i32
      %add3A_104 = arith.addi %mul3A_0, %add3A_103 : i32
      "tpu.region"() ({
        %run_scoped3A = tpu.sem_alloc : memref<!tpu.dma_semaphore, #tpu.memory_space<semaphore_mem>>
        %dma_start3A_105 = arith.constant 0 : i32
        %dma_start3A_106 = tpu.memref_slice %arg14[%add3A_104, %dma_start3A_105] : memref<10112x80xf32, #tpu.memory_space<vmem_shared>> -> memref<128x80xf32, #tpu.memory_space<vmem_shared>>
        tpu.enqueue_dma source(%arg6 : memref<128x80xf32, #tpu.memory_space<hbm>>) target(%dma_start3A_106 : memref<128x80xf32, #tpu.memory_space<vmem_shared>>) target_semaphore(%run_scoped3A : memref<!tpu.dma_semaphore, #tpu.memory_space<semaphore_mem>>)
        %dma_wait3A = arith.constant 0 : i32
        %dma_wait3A_107 = tpu.memref_slice %arg14[%add3A_104, %dma_wait3A] : memref<10112x80xf32, #tpu.memory_space<vmem_shared>> -> memref<128x80xf32, #tpu.memory_space<vmem_shared>>
        tpu.wait_dma2 semaphore(%run_scoped3A : memref<!tpu.dma_semaphore, #tpu.memory_space<semaphore_mem>>) src(%arg6 : memref<128x80xf32, #tpu.memory_space<hbm>>) dst(%dma_wait3A_107 : memref<128x80xf32, #tpu.memory_space<vmem_shared>>)
        tpu.yield
      }) : () -> ()
    } else {
    }
    %eq3A_13 = arith.constant 1 : i32
    %eq3A_14 = arith.cmpi eq, %arg0, %eq3A_13 : i32
    %convert_element_type3A_15 = arith.extui %eq3A_14 : i1 to i32
    %cond3A_16 = arith.constant 0 : i32
    %cond3A_17 = arith.cmpi ne, %convert_element_type3A_15, %cond3A_16 : i32
    scf.if %cond3A_17 {
      %add3A_103 = arith.constant 128 : i32
      %add3A_104 = arith.addi %mul3A_0, %add3A_103 : i32
      "tpu.region"() ({
        %run_scoped3A = tpu.sem_alloc : memref<!tpu.dma_semaphore, #tpu.memory_space<semaphore_mem>>
        %dma_start3A_105 = arith.constant 0 : i32
        %dma_start3A_106 = tpu.memref_slice %arg15[%add3A_104, %dma_start3A_105] : memref<10112x64xf32, #tpu.memory_space<vmem_shared>> -> memref<128x64xf32, #tpu.memory_space<vmem_shared>>
        tpu.enqueue_dma source(%arg7 : memref<128x64xf32, #tpu.memory_space<hbm>>) target(%dma_start3A_106 : memref<128x64xf32, #tpu.memory_space<vmem_shared>>) target_semaphore(%run_scoped3A : memref<!tpu.dma_semaphore, #tpu.memory_space<semaphore_mem>>)
        %dma_wait3A = arith.constant 0 : i32
        %dma_wait3A_107 = tpu.memref_slice %arg15[%add3A_104, %dma_wait3A] : memref<10112x64xf32, #tpu.memory_space<vmem_shared>> -> memref<128x64xf32, #tpu.memory_space<vmem_shared>>
        tpu.wait_dma2 semaphore(%run_scoped3A : memref<!tpu.dma_semaphore, #tpu.memory_space<semaphore_mem>>) src(%arg7 : memref<128x64xf32, #tpu.memory_space<hbm>>) dst(%dma_wait3A_107 : memref<128x64xf32, #tpu.memory_space<vmem_shared>>)
        tpu.yield
      }) : () -> ()
    } else {
    }
    %eq3A_18 = arith.constant 0 : i32
    %eq3A_19 = arith.cmpi eq, %arg0, %eq3A_18 : i32
    %convert_element_type3A_20 = arith.extui %eq3A_19 : i1 to i32
    %cond3A_21 = arith.constant 0 : i32
    %cond3A_22 = arith.cmpi ne, %convert_element_type3A_20, %cond3A_21 : i32
    scf.if %cond3A_22 {
      %add3A_103 = arith.constant 256 : i32
      %add3A_104 = arith.addi %mul3A_0, %add3A_103 : i32
      "tpu.region"() ({
        %run_scoped3A = tpu.sem_alloc : memref<!tpu.dma_semaphore, #tpu.memory_space<semaphore_mem>>
        %dma_start3A_105 = arith.constant 0 : i32
        %dma_start3A_106 = tpu.memref_slice %arg14[%add3A_104, %dma_start3A_105] : memref<10112x80xf32, #tpu.memory_space<vmem_shared>> -> memref<128x80xf32, #tpu.memory_space<vmem_shared>>
        tpu.enqueue_dma source(%arg6 : memref<128x80xf32, #tpu.memory_space<hbm>>) target(%dma_start3A_106 : memref<128x80xf32, #tpu.memory_space<vmem_shared>>) target_semaphore(%run_scoped3A : memref<!tpu.dma_semaphore, #tpu.memory_space<semaphore_mem>>)
        %dma_wait3A = arith.constant 0 : i32
        %dma_wait3A_107 = tpu.memref_slice %arg14[%add3A_104, %dma_wait3A] : memref<10112x80xf32, #tpu.memory_space<vmem_shared>> -> memref<128x80xf32, #tpu.memory_space<vmem_shared>>
        tpu.wait_dma2 semaphore(%run_scoped3A : memref<!tpu.dma_semaphore, #tpu.memory_space<semaphore_mem>>) src(%arg6 : memref<128x80xf32, #tpu.memory_space<hbm>>) dst(%dma_wait3A_107 : memref<128x80xf32, #tpu.memory_space<vmem_shared>>)
        tpu.yield
      }) : () -> ()
    } else {
    }
    %eq3A_23 = arith.constant 1 : i32
    %eq3A_24 = arith.cmpi eq, %arg0, %eq3A_23 : i32
    %convert_element_type3A_25 = arith.extui %eq3A_24 : i1 to i32
    %cond3A_26 = arith.constant 0 : i32
    %cond3A_27 = arith.cmpi ne, %convert_element_type3A_25, %cond3A_26 : i32
    scf.if %cond3A_27 {
      %add3A_103 = arith.constant 256 : i32
      %add3A_104 = arith.addi %mul3A_0, %add3A_103 : i32
      "tpu.region"() ({
        %run_scoped3A = tpu.sem_alloc : memref<!tpu.dma_semaphore, #tpu.memory_space<semaphore_mem>>
        %dma_start3A_105 = arith.constant 0 : i32
        %dma_start3A_106 = tpu.memref_slice %arg15[%add3A_104, %dma_start3A_105] : memref<10112x64xf32, #tpu.memory_space<vmem_shared>> -> memref<128x64xf32, #tpu.memory_space<vmem_shared>>
        tpu.enqueue_dma source(%arg7 : memref<128x64xf32, #tpu.memory_space<hbm>>) target(%dma_start3A_106 : memref<128x64xf32, #tpu.memory_space<vmem_shared>>) target_semaphore(%run_scoped3A : memref<!tpu.dma_semaphore, #tpu.memory_space<semaphore_mem>>)
        %dma_wait3A = arith.constant 0 : i32
        %dma_wait3A_107 = tpu.memref_slice %arg15[%add3A_104, %dma_wait3A] : memref<10112x64xf32, #tpu.memory_space<vmem_shared>> -> memref<128x64xf32, #tpu.memory_space<vmem_shared>>
        tpu.wait_dma2 semaphore(%run_scoped3A : memref<!tpu.dma_semaphore, #tpu.memory_space<semaphore_mem>>) src(%arg7 : memref<128x64xf32, #tpu.memory_space<hbm>>) dst(%dma_wait3A_107 : memref<128x64xf32, #tpu.memory_space<vmem_shared>>)
        tpu.yield
      }) : () -> ()
    } else {
    }
    %eq3A_28 = arith.constant 0 : i32
    %eq3A_29 = arith.cmpi eq, %arg0, %eq3A_28 : i32
    %convert_element_type3A_30 = arith.extui %eq3A_29 : i1 to i32
    %cond3A_31 = arith.constant 0 : i32
    %cond3A_32 = arith.cmpi ne, %convert_element_type3A_30, %cond3A_31 : i32
    scf.if %cond3A_32 {
      %add3A_103 = arith.constant 384 : i32
      %add3A_104 = arith.addi %mul3A_0, %add3A_103 : i32
      "tpu.region"() ({
        %run_scoped3A = tpu.sem_alloc : memref<!tpu.dma_semaphore, #tpu.memory_space<semaphore_mem>>
        %dma_start3A_105 = arith.constant 0 : i32
        %dma_start3A_106 = tpu.memref_slice %arg14[%add3A_104, %dma_start3A_105] : memref<10112x80xf32, #tpu.memory_space<vmem_shared>> -> memref<128x80xf32, #tpu.memory_space<vmem_shared>>
        tpu.enqueue_dma source(%arg6 : memref<128x80xf32, #tpu.memory_space<hbm>>) target(%dma_start3A_106 : memref<128x80xf32, #tpu.memory_space<vmem_shared>>) target_semaphore(%run_scoped3A : memref<!tpu.dma_semaphore, #tpu.memory_space<semaphore_mem>>)
        %dma_wait3A = arith.constant 0 : i32
        %dma_wait3A_107 = tpu.memref_slice %arg14[%add3A_104, %dma_wait3A] : memref<10112x80xf32, #tpu.memory_space<vmem_shared>> -> memref<128x80xf32, #tpu.memory_space<vmem_shared>>
        tpu.wait_dma2 semaphore(%run_scoped3A : memref<!tpu.dma_semaphore, #tpu.memory_space<semaphore_mem>>) src(%arg6 : memref<128x80xf32, #tpu.memory_space<hbm>>) dst(%dma_wait3A_107 : memref<128x80xf32, #tpu.memory_space<vmem_shared>>)
        tpu.yield
      }) : () -> ()
    } else {
    }
    %eq3A_33 = arith.constant 1 : i32
    %eq3A_34 = arith.cmpi eq, %arg0, %eq3A_33 : i32
    %convert_element_type3A_35 = arith.extui %eq3A_34 : i1 to i32
    %cond3A_36 = arith.constant 0 : i32
    %cond3A_37 = arith.cmpi ne, %convert_element_type3A_35, %cond3A_36 : i32
    scf.if %cond3A_37 {
      %add3A_103 = arith.constant 384 : i32
      %add3A_104 = arith.addi %mul3A_0, %add3A_103 : i32
      "tpu.region"() ({
        %run_scoped3A = tpu.sem_alloc : memref<!tpu.dma_semaphore, #tpu.memory_space<semaphore_mem>>
        %dma_start3A_105 = arith.constant 0 : i32
        %dma_start3A_106 = tpu.memref_slice %arg15[%add3A_104, %dma_start3A_105] : memref<10112x64xf32, #tpu.memory_space<vmem_shared>> -> memref<128x64xf32, #tpu.memory_space<vmem_shared>>
        tpu.enqueue_dma source(%arg7 : memref<128x64xf32, #tpu.memory_space<hbm>>) target(%dma_start3A_106 : memref<128x64xf32, #tpu.memory_space<vmem_shared>>) target_semaphore(%run_scoped3A : memref<!tpu.dma_semaphore, #tpu.memory_space<semaphore_mem>>)
        %dma_wait3A = arith.constant 0 : i32
        %dma_wait3A_107 = tpu.memref_slice %arg15[%add3A_104, %dma_wait3A] : memref<10112x64xf32, #tpu.memory_space<vmem_shared>> -> memref<128x64xf32, #tpu.memory_space<vmem_shared>>
        tpu.wait_dma2 semaphore(%run_scoped3A : memref<!tpu.dma_semaphore, #tpu.memory_space<semaphore_mem>>) src(%arg7 : memref<128x64xf32, #tpu.memory_space<hbm>>) dst(%dma_wait3A_107 : memref<128x64xf32, #tpu.memory_space<vmem_shared>>)
        tpu.yield
      }) : () -> ()
    } else {
    }
    %eq3A_38 = arith.constant 0 : i32
    %eq3A_39 = arith.cmpi eq, %arg0, %eq3A_38 : i32
    %convert_element_type3A_40 = arith.extui %eq3A_39 : i1 to i32
    %cond3A_41 = arith.constant 0 : i32
    %cond3A_42 = arith.cmpi ne, %convert_element_type3A_40, %cond3A_41 : i32
    scf.if %cond3A_42 {
      %add3A_103 = arith.constant 512 : i32
      %add3A_104 = arith.addi %mul3A_0, %add3A_103 : i32
      "tpu.region"() ({
        %run_scoped3A = tpu.sem_alloc : memref<!tpu.dma_semaphore, #tpu.memory_space<semaphore_mem>>
        %dma_start3A_105 = arith.constant 0 : i32
        %dma_start3A_106 = tpu.memref_slice %arg14[%add3A_104, %dma_start3A_105] : memref<10112x80xf32, #tpu.memory_space<vmem_shared>> -> memref<120x80xf32, #tpu.memory_space<vmem_shared>>
        %dma_start3A_107 = arith.constant 0 : i32
        %dma_start3A_108 = arith.constant 0 : i32
        %dma_start3A_109 = tpu.memref_slice %arg6[%dma_start3A_107, %dma_start3A_108] : memref<128x80xf32, #tpu.memory_space<hbm>> -> memref<120x80xf32, #tpu.memory_space<hbm>>
        tpu.enqueue_dma source(%dma_start3A_109 : memref<120x80xf32, #tpu.memory_space<hbm>>) target(%dma_start3A_106 : memref<120x80xf32, #tpu.memory_space<vmem_shared>>) target_semaphore(%run_scoped3A : memref<!tpu.dma_semaphore, #tpu.memory_space<semaphore_mem>>)
        %dma_wait3A = arith.constant 0 : i32
        %dma_wait3A_110 = tpu.memref_slice %arg14[%add3A_104, %dma_wait3A] : memref<10112x80xf32, #tpu.memory_space<vmem_shared>> -> memref<120x80xf32, #tpu.memory_space<vmem_shared>>
        %dma_wait3A_111 = arith.constant 0 : i32
        %dma_wait3A_112 = arith.constant 0 : i32
        %dma_wait3A_113 = tpu.memref_slice %arg6[%dma_wait3A_111, %dma_wait3A_112] : memref<128x80xf32, #tpu.memory_space<hbm>> -> memref<120x80xf32, #tpu.memory_space<hbm>>
        tpu.wait_dma2 semaphore(%run_scoped3A : memref<!tpu.dma_semaphore, #tpu.memory_space<semaphore_mem>>) src(%dma_wait3A_113 : memref<120x80xf32, #tpu.memory_space<hbm>>) dst(%dma_wait3A_110 : memref<120x80xf32, #tpu.memory_space<vmem_shared>>)
        tpu.yield
      }) : () -> ()
    } else {
    }
    %eq3A_43 = arith.constant 1 : i32
    %eq3A_44 = arith.cmpi eq, %arg0, %eq3A_43 : i32
    %convert_element_type3A_45 = arith.extui %eq3A_44 : i1 to i32
    %cond3A_46 = arith.constant 0 : i32
    %cond3A_47 = arith.cmpi ne, %convert_element_type3A_45, %cond3A_46 : i32
    scf.if %cond3A_47 {
      %add3A_103 = arith.constant 512 : i32
      %add3A_104 = arith.addi %mul3A_0, %add3A_103 : i32
      "tpu.region"() ({
        %run_scoped3A = tpu.sem_alloc : memref<!tpu.dma_semaphore, #tpu.memory_space<semaphore_mem>>
        %dma_start3A_105 = arith.constant 0 : i32
        %dma_start3A_106 = tpu.memref_slice %arg15[%add3A_104, %dma_start3A_105] : memref<10112x64xf32, #tpu.memory_space<vmem_shared>> -> memref<120x64xf32, #tpu.memory_space<vmem_shared>>
        %dma_start3A_107 = arith.constant 0 : i32
        %dma_start3A_108 = arith.constant 0 : i32
        %dma_start3A_109 = tpu.memref_slice %arg7[%dma_start3A_107, %dma_start3A_108] : memref<128x64xf32, #tpu.memory_space<hbm>> -> memref<120x64xf32, #tpu.memory_space<hbm>>
        tpu.enqueue_dma source(%dma_start3A_109 : memref<120x64xf32, #tpu.memory_space<hbm>>) target(%dma_start3A_106 : memref<120x64xf32, #tpu.memory_space<vmem_shared>>) target_semaphore(%run_scoped3A : memref<!tpu.dma_semaphore, #tpu.memory_space<semaphore_mem>>)
        %dma_wait3A = arith.constant 0 : i32
        %dma_wait3A_110 = tpu.memref_slice %arg15[%add3A_104, %dma_wait3A] : memref<10112x64xf32, #tpu.memory_space<vmem_shared>> -> memref<120x64xf32, #tpu.memory_space<vmem_shared>>
        %dma_wait3A_111 = arith.constant 0 : i32
        %dma_wait3A_112 = arith.constant 0 : i32
        %dma_wait3A_113 = tpu.memref_slice %arg7[%dma_wait3A_111, %dma_wait3A_112] : memref<128x64xf32, #tpu.memory_space<hbm>> -> memref<120x64xf32, #tpu.memory_space<hbm>>
        tpu.wait_dma2 semaphore(%run_scoped3A : memref<!tpu.dma_semaphore, #tpu.memory_space<semaphore_mem>>) src(%dma_wait3A_113 : memref<120x64xf32, #tpu.memory_space<hbm>>) dst(%dma_wait3A_110 : memref<120x64xf32, #tpu.memory_space<vmem_shared>>)
        tpu.yield
      }) : () -> ()
    } else {
    }
    %barrier3A = arith.constant 0 : index
    tpu.barrier barrier_id(%barrier3A)
    "tpu.region"() ({
      %run_scoped3A = tpu.sem_alloc : memref<!tpu.dma_semaphore, #tpu.memory_space<semaphore_mem>>
      %dma_start3A_103 = arith.constant 0 : i32
      %dma_start3A_104 = arith.constant 0 : i32
      %dma_start3A_105 = arith.constant 0 : i32
      %dma_start3A_106 = tpu.memref_slice %arg10[%dma_start3A_103, %dma_start3A_104, %dma_start3A_105] : memref<3x2x128xi32, #tpu.memory_space<vmem>> -> memref<1x2x128xi32, #tpu.memory_space<vmem>>
      %dma_start3A_107 = arith.constant 0 : i32
      %dma_start3A_108 = arith.constant 0 : i32
      %dma_start3A_109 = tpu.memref_slice %arg2[%arg1, %dma_start3A_107, %dma_start3A_108] : memref<2512x2x128xi32, #tpu.memory_space<hbm>> -> memref<1x2x128xi32, #tpu.memory_space<hbm>>
      %dma_start3A_110 = arith.constant 0 : i32
      %dma_start3A_111 = arith.constant 0 : i32
      %dma_start3A_112 = arith.constant 0 : i32
      %dma_start3A_113 = tpu.memref_slice %arg10[%dma_start3A_110, %dma_start3A_111, %dma_start3A_112] : memref<3x2x128xi32, #tpu.memory_space<vmem>> -> memref<1x2x128xi32, #tpu.memory_space<vmem>>
      %dma_start3A_114 = arith.constant 0 : i32
      %dma_start3A_115 = arith.constant 0 : i32
      %dma_start3A_116 = tpu.memref_slice %arg2[%arg1, %dma_start3A_114, %dma_start3A_115] : memref<2512x2x128xi32, #tpu.memory_space<hbm>> -> memref<1x2x128xi32, #tpu.memory_space<hbm>>
      tpu.enqueue_dma source(%dma_start3A_116 : memref<1x2x128xi32, #tpu.memory_space<hbm>>) target(%dma_start3A_113 : memref<1x2x128xi32, #tpu.memory_space<vmem>>) target_semaphore(%run_scoped3A : memref<!tpu.dma_semaphore, #tpu.memory_space<semaphore_mem>>)
      %dma_wait3A = arith.constant 0 : i32
      %dma_wait3A_117 = arith.constant 0 : i32
      %dma_wait3A_118 = arith.constant 0 : i32
      %dma_wait3A_119 = tpu.memref_slice %arg10[%dma_wait3A, %dma_wait3A_117, %dma_wait3A_118] : memref<3x2x128xi32, #tpu.memory_space<vmem>> -> memref<1x2x128xi32, #tpu.memory_space<vmem>>
      %dma_wait3A_120 = arith.constant 0 : i32
      %dma_wait3A_121 = arith.constant 0 : i32
      %dma_wait3A_122 = tpu.memref_slice %arg2[%arg1, %dma_wait3A_120, %dma_wait3A_121] : memref<2512x2x128xi32, #tpu.memory_space<hbm>> -> memref<1x2x128xi32, #tpu.memory_space<hbm>>
      %dma_wait3A_123 = arith.constant 0 : i32
      %dma_wait3A_124 = arith.constant 0 : i32
      %dma_wait3A_125 = arith.constant 0 : i32
      %dma_wait3A_126 = tpu.memref_slice %arg10[%dma_wait3A_123, %dma_wait3A_124, %dma_wait3A_125] : memref<3x2x128xi32, #tpu.memory_space<vmem>> -> memref<1x2x128xi32, #tpu.memory_space<vmem>>
      %dma_wait3A_127 = arith.constant 0 : i32
      %dma_wait3A_128 = arith.constant 0 : i32
      %dma_wait3A_129 = tpu.memref_slice %arg2[%arg1, %dma_wait3A_127, %dma_wait3A_128] : memref<2512x2x128xi32, #tpu.memory_space<hbm>> -> memref<1x2x128xi32, #tpu.memory_space<hbm>>
      tpu.wait_dma2 semaphore(%run_scoped3A : memref<!tpu.dma_semaphore, #tpu.memory_space<semaphore_mem>>) src(%dma_wait3A_129 : memref<1x2x128xi32, #tpu.memory_space<hbm>>) dst(%dma_wait3A_126 : memref<1x2x128xi32, #tpu.memory_space<vmem>>)
      tpu.yield
    }) : () -> ()
    %eq3A_48 = arith.constant 0 : i32
    %eq3A_49 = arith.cmpi eq, %arg0, %eq3A_48 : i32
    %convert_element_type3A_50 = arith.extui %eq3A_49 : i1 to i32
    %cond3A_51 = arith.constant 0 : i32
    %cond3A_52 = arith.cmpi ne, %convert_element_type3A_50, %cond3A_51 : i32
    scf.if %cond3A_52 {
      %dma_start3A_103 = arith.constant 0 : i32
      %dma_start3A_104 = arith.constant 1 : i32
      %dma_start3A_105 = arith.constant 0 : i32
      %dma_start3A_106 = arith.constant 0 : i32
      %dma_start3A_107 = arith.constant 0 : i32
      %dma_start3A_108 = tpu.memref_slice %arg11[%dma_start3A_105, %dma_start3A_106, %dma_start3A_107] : memref<2x128x80xf32, #tpu.memory_space<vmem>> -> memref<1x128x80xf32, #tpu.memory_space<vmem>>
      %dma_start3A_109 = tpu.memref_squeeze %dma_start3A_108 : memref<1x128x80xf32, #tpu.memory_space<vmem>> -> memref<128x80xf32, #tpu.memory_space<vmem>>
      %dma_start3A_110 = arith.constant 0 : i32
      %dma_start3A_111 = tpu.memref_slice %arg10[%dma_start3A_103, %dma_start3A_104, %dma_start3A_110] : memref<3x2x128xi32, #tpu.memory_space<vmem>> -> memref<1x1x128xi32, #tpu.memory_space<vmem>>
      %dma_start3A_112 = tpu.memref_squeeze %dma_start3A_111 : memref<1x1x128xi32, #tpu.memory_space<vmem>> -> memref<128xi32, #tpu.memory_space<vmem>>
      %dma_start3A_113 = arith.constant 0 : i32
      %dma_start3A_114 = arith.constant 0 : i32
      %dma_start3A_115 = tpu.memref_slice %arg3[%dma_start3A_113, %dma_start3A_114] : memref<10000x80xf32, #tpu.memory_space<hbm>> -> memref<10000x80xf32, #tpu.memory_space<hbm>>
      tpu.enqueue_indirect_dma source(%dma_start3A_115 : memref<10000x80xf32, #tpu.memory_space<hbm>>) target(%dma_start3A_109 : memref<128x80xf32, #tpu.memory_space<vmem>>) offsets(%dma_start3A_112 : memref<128xi32, #tpu.memory_space<vmem>>) semaphore(%arg16 : memref<!tpu.dma_semaphore, #tpu.memory_space<semaphore_mem>>)
    } else {
    }
    %eq3A_53 = arith.constant 1 : i32
    %eq3A_54 = arith.cmpi eq, %arg0, %eq3A_53 : i32
    %convert_element_type3A_55 = arith.extui %eq3A_54 : i1 to i32
    %cond3A_56 = arith.constant 0 : i32
    %cond3A_57 = arith.cmpi ne, %convert_element_type3A_55, %cond3A_56 : i32
    scf.if %cond3A_57 {
      %dma_start3A_103 = arith.constant 0 : i32
      %dma_start3A_104 = arith.constant 1 : i32
      %dma_start3A_105 = arith.constant 0 : i32
      %dma_start3A_106 = arith.constant 0 : i32
      %dma_start3A_107 = arith.constant 0 : i32
      %dma_start3A_108 = tpu.memref_slice %arg12[%dma_start3A_105, %dma_start3A_106, %dma_start3A_107] : memref<2x128x64xf32, #tpu.memory_space<vmem>> -> memref<1x128x64xf32, #tpu.memory_space<vmem>>
      %dma_start3A_109 = tpu.memref_squeeze %dma_start3A_108 : memref<1x128x64xf32, #tpu.memory_space<vmem>> -> memref<128x64xf32, #tpu.memory_space<vmem>>
      %dma_start3A_110 = arith.constant 0 : i32
      %dma_start3A_111 = tpu.memref_slice %arg10[%dma_start3A_103, %dma_start3A_104, %dma_start3A_110] : memref<3x2x128xi32, #tpu.memory_space<vmem>> -> memref<1x1x128xi32, #tpu.memory_space<vmem>>
      %dma_start3A_112 = tpu.memref_squeeze %dma_start3A_111 : memref<1x1x128xi32, #tpu.memory_space<vmem>> -> memref<128xi32, #tpu.memory_space<vmem>>
      %dma_start3A_113 = arith.constant 0 : i32
      %dma_start3A_114 = arith.constant 0 : i32
      %dma_start3A_115 = tpu.memref_slice %arg4[%dma_start3A_113, %dma_start3A_114] : memref<10000x64xf32, #tpu.memory_space<hbm>> -> memref<10000x64xf32, #tpu.memory_space<hbm>>
      tpu.enqueue_indirect_dma source(%dma_start3A_115 : memref<10000x64xf32, #tpu.memory_space<hbm>>) target(%dma_start3A_109 : memref<128x64xf32, #tpu.memory_space<vmem>>) offsets(%dma_start3A_112 : memref<128xi32, #tpu.memory_space<vmem>>) semaphore(%arg16 : memref<!tpu.dma_semaphore, #tpu.memory_space<semaphore_mem>>)
    } else {
    }
    %eq3A_58 = arith.constant 1 : i32
    %eq3A_59 = arith.cmpi eq, %arg0, %eq3A_58 : i32
    %convert_element_type3A_60 = arith.extui %eq3A_59 : i1 to i32
    %cond3A_61 = arith.constant 0 : i32
    %cond3A_62 = arith.cmpi ne, %convert_element_type3A_60, %cond3A_61 : i32
    scf.if %cond3A_62 {
      %dma_start3A_103 = arith.constant 0 : i32
      %dma_start3A_104 = arith.constant 0 : i32
      %dma_start3A_105 = arith.constant 0 : i32
      %dma_start3A_106 = tpu.memref_slice %arg10[%dma_start3A_103, %dma_start3A_104, %dma_start3A_105] : memref<3x2x128xi32, #tpu.memory_space<vmem>> -> memref<1x1x128xi32, #tpu.memory_space<vmem>>
      %dma_start3A_107 = tpu.memref_squeeze %dma_start3A_106 : memref<1x1x128xi32, #tpu.memory_space<vmem>> -> memref<128xi32, #tpu.memory_space<vmem>>
      %dma_start3A_108 = arith.constant 0 : i32
      %dma_start3A_109 = arith.constant 0 : i32
      %dma_start3A_110 = tpu.memref_slice %arg5[%dma_start3A_108, %dma_start3A_109] : memref<10112x16xf32, #tpu.memory_space<hbm>> -> memref<10112x16xf32, #tpu.memory_space<hbm>>
      tpu.enqueue_indirect_dma source(%dma_start3A_110 : memref<10112x16xf32, #tpu.memory_space<hbm>>) target(%arg13 : memref<128x16xf32, #tpu.memory_space<vmem>>) offsets(%dma_start3A_107 : memref<128xi32, #tpu.memory_space<vmem>>) semaphore(%arg17 : memref<!tpu.dma_semaphore, #tpu.memory_space<semaphore_mem>>)
    } else {
    }
    %add3A = arith.constant 16 : i32
    %add3A_63 = arith.addi %arg1, %add3A : i32
    %dma_start3A = arith.constant 1 : i32
    %dma_start3A_64 = arith.constant 0 : i32
    %dma_start3A_65 = arith.constant 0 : i32
    %dma_start3A_66 = tpu.memref_slice %arg10[%dma_start3A, %dma_start3A_64, %dma_start3A_65] : memref<3x2x128xi32, #tpu.memory_space<vmem>> -> memref<1x2x128xi32, #tpu.memory_space<vmem>>
    %dma_start3A_67 = arith.constant 0 : i32
    %dma_start3A_68 = arith.constant 0 : i32
    %dma_start3A_69 = tpu.memref_slice %arg2[%add3A_63, %dma_start3A_67, %dma_start3A_68] : memref<2512x2x128xi32, #tpu.memory_space<hbm>> -> memref<1x2x128xi32, #tpu.memory_space<hbm>>
    %dma_start3A_70 = arith.constant 1 : i32
    %dma_start3A_71 = arith.constant 0 : i32
    %dma_start3A_72 = arith.constant 0 : i32
    %dma_start3A_73 = tpu.memref_slice %arg10[%dma_start3A_70, %dma_start3A_71, %dma_start3A_72] : memref<3x2x128xi32, #tpu.memory_space<vmem>> -> memref<1x2x128xi32, #tpu.memory_space<vmem>>
    %dma_start3A_74 = arith.constant 0 : i32
    %dma_start3A_75 = arith.constant 0 : i32
    %dma_start3A_76 = tpu.memref_slice %arg2[%add3A_63, %dma_start3A_74, %dma_start3A_75] : memref<2512x2x128xi32, #tpu.memory_space<hbm>> -> memref<1x2x128xi32, #tpu.memory_space<hbm>>
    tpu.enqueue_dma source(%dma_start3A_76 : memref<1x2x128xi32, #tpu.memory_space<hbm>>) target(%dma_start3A_73 : memref<1x2x128xi32, #tpu.memory_space<vmem>>) target_semaphore(%arg18 : memref<!tpu.dma_semaphore, #tpu.memory_space<semaphore_mem>>)
    %scan3A = arith.constant 0 : i32
    %scan3A_77 = arith.constant 0 : i32
    %scan3A_78 = arith.constant 157 : i32
    %scan3A_79 = arith.addi %scan3A_77, %scan3A_78 : i32
    %scan3A_80 = arith.constant 1 : i32
    scf.for %scan3A_103 = %scan3A_77 to %scan3A_79 step %scan3A_80  : i32 {
      %rem3A = arith.constant 2 : i32
      %rem3A_104 = arith.remsi %scan3A_103, %rem3A : i32
      %sub3A = arith.constant 1 : i32
      %sub3A_105 = arith.subi %sub3A, %rem3A_104 : i32
      %rem3A_106 = arith.constant 3 : i32
      %rem3A_107 = arith.remsi %scan3A_103, %rem3A_106 : i32
      %add3A_108 = arith.constant 1 : i32
      %add3A_109 = arith.addi %scan3A_103, %add3A_108 : i32
      %rem3A_110 = arith.constant 3 : i32
      %rem3A_111 = arith.remsi %add3A_109, %rem3A_110 : i32
      %add3A_112 = arith.constant 2 : i32
      %add3A_113 = arith.addi %scan3A_103, %add3A_112 : i32
      %rem3A_114 = arith.constant 3 : i32
      %rem3A_115 = arith.remsi %add3A_113, %rem3A_114 : i32
      %eq3A_116 = arith.constant 0 : i32
      %eq3A_117 = arith.cmpi eq, %arg0, %eq3A_116 : i32
      %convert_element_type3A_118 = arith.extui %eq3A_117 : i1 to i32
      %cond3A_119 = arith.constant 0 : i32
      %cond3A_120 = arith.cmpi ne, %convert_element_type3A_118, %cond3A_119 : i32
      scf.if %cond3A_120 {
        %dma_wait3A = arith.constant 0 : i32
        %dma_wait3A_159 = arith.constant 1 : i32
        %dma_wait3A_160 = arith.constant 0 : i32
        %dma_wait3A_161 = arith.constant 0 : i32
        %dma_wait3A_162 = arith.constant 0 : i32
        %dma_wait3A_163 = tpu.memref_slice %arg11[%dma_wait3A_160, %dma_wait3A_161, %dma_wait3A_162] : memref<2x128x80xf32, #tpu.memory_space<vmem>> -> memref<1x128x80xf32, #tpu.memory_space<vmem>>
        %dma_wait3A_164 = tpu.memref_squeeze %dma_wait3A_163 : memref<1x128x80xf32, #tpu.memory_space<vmem>> -> memref<128x80xf32, #tpu.memory_space<vmem>>
        %dma_wait3A_165 = arith.constant 0 : i32
        %dma_wait3A_166 = tpu.memref_slice %arg10[%dma_wait3A, %dma_wait3A_159, %dma_wait3A_165] : memref<3x2x128xi32, #tpu.memory_space<vmem>> -> memref<1x1x128xi32, #tpu.memory_space<vmem>>
        %dma_wait3A_167 = tpu.memref_squeeze %dma_wait3A_166 : memref<1x1x128xi32, #tpu.memory_space<vmem>> -> memref<128xi32, #tpu.memory_space<vmem>>
        %dma_wait3A_168 = arith.constant 0 : i32
        %dma_wait3A_169 = arith.constant 0 : i32
        %dma_wait3A_170 = tpu.memref_slice %arg3[%dma_wait3A_168, %dma_wait3A_169] : memref<10000x80xf32, #tpu.memory_space<hbm>> -> memref<10000x80xf32, #tpu.memory_space<hbm>>
        tpu.wait_indirect_dma semaphore(%arg16 : memref<!tpu.dma_semaphore, #tpu.memory_space<semaphore_mem>>) src(%dma_wait3A_170 : memref<10000x80xf32, #tpu.memory_space<hbm>>) dst(%dma_wait3A_164 : memref<128x80xf32, #tpu.memory_space<vmem>>)
      } else {
      }
      %eq3A_121 = arith.constant 1 : i32
      %eq3A_122 = arith.cmpi eq, %arg0, %eq3A_121 : i32
      %convert_element_type3A_123 = arith.extui %eq3A_122 : i1 to i32
      %cond3A_124 = arith.constant 0 : i32
      %cond3A_125 = arith.cmpi ne, %convert_element_type3A_123, %cond3A_124 : i32
      scf.if %cond3A_125 {
        %dma_wait3A = arith.constant 0 : i32
        %dma_wait3A_159 = arith.constant 1 : i32
        %dma_wait3A_160 = arith.constant 0 : i32
        %dma_wait3A_161 = arith.constant 0 : i32
        %dma_wait3A_162 = arith.constant 0 : i32
        %dma_wait3A_163 = tpu.memref_slice %arg12[%dma_wait3A_160, %dma_wait3A_161, %dma_wait3A_162] : memref<2x128x64xf32, #tpu.memory_space<vmem>> -> memref<1x128x64xf32, #tpu.memory_space<vmem>>
        %dma_wait3A_164 = tpu.memref_squeeze %dma_wait3A_163 : memref<1x128x64xf32, #tpu.memory_space<vmem>> -> memref<128x64xf32, #tpu.memory_space<vmem>>
        %dma_wait3A_165 = arith.constant 0 : i32
        %dma_wait3A_166 = tpu.memref_slice %arg10[%dma_wait3A, %dma_wait3A_159, %dma_wait3A_165] : memref<3x2x128xi32, #tpu.memory_space<vmem>> -> memref<1x1x128xi32, #tpu.memory_space<vmem>>
        %dma_wait3A_167 = tpu.memref_squeeze %dma_wait3A_166 : memref<1x1x128xi32, #tpu.memory_space<vmem>> -> memref<128xi32, #tpu.memory_space<vmem>>
        %dma_wait3A_168 = arith.constant 0 : i32
        %dma_wait3A_169 = arith.constant 0 : i32
        %dma_wait3A_170 = tpu.memref_slice %arg4[%dma_wait3A_168, %dma_wait3A_169] : memref<10000x64xf32, #tpu.memory_space<hbm>> -> memref<10000x64xf32, #tpu.memory_space<hbm>>
        tpu.wait_indirect_dma semaphore(%arg16 : memref<!tpu.dma_semaphore, #tpu.memory_space<semaphore_mem>>) src(%dma_wait3A_170 : memref<10000x64xf32, #tpu.memory_space<hbm>>) dst(%dma_wait3A_164 : memref<128x64xf32, #tpu.memory_space<vmem>>)
        %dma_wait3A_171 = arith.constant 0 : i32
        %dma_wait3A_172 = arith.constant 0 : i32
        %dma_wait3A_173 = arith.constant 0 : i32
        %dma_wait3A_174 = tpu.memref_slice %arg10[%dma_wait3A_171, %dma_wait3A_172, %dma_wait3A_173] : memref<3x2x128xi32, #tpu.memory_space<vmem>> -> memref<1x1x128xi32, #tpu.memory_space<vmem>>
        %dma_wait3A_175 = tpu.memref_squeeze %dma_wait3A_174 : memref<1x1x128xi32, #tpu.memory_space<vmem>> -> memref<128xi32, #tpu.memory_space<vmem>>
        %dma_wait3A_176 = arith.constant 0 : i32
        %dma_wait3A_177 = arith.constant 0 : i32
        %dma_wait3A_178 = tpu.memref_slice %arg5[%dma_wait3A_176, %dma_wait3A_177] : memref<10112x16xf32, #tpu.memory_space<hbm>> -> memref<10112x16xf32, #tpu.memory_space<hbm>>
        tpu.wait_indirect_dma semaphore(%arg17 : memref<!tpu.dma_semaphore, #tpu.memory_space<semaphore_mem>>) src(%dma_wait3A_178 : memref<10112x16xf32, #tpu.memory_space<hbm>>) dst(%arg13 : memref<128x16xf32, #tpu.memory_space<vmem>>)
      } else {
      }
      %gt3A = arith.constant 0 : i32
      %gt3A_126 = arith.cmpi sgt, %scan3A_103, %gt3A : i32
      %convert_element_type3A_127 = arith.extui %gt3A_126 : i1 to i32
      %cond3A_128 = arith.constant 0 : i32
      %cond3A_129 = arith.cmpi ne, %convert_element_type3A_127, %cond3A_128 : i32
      scf.if %cond3A_129 {
        %eq3A_159 = arith.constant 0 : i32
        %eq3A_160 = arith.cmpi eq, %arg0, %eq3A_159 : i32
        %convert_element_type3A_161 = arith.extui %eq3A_160 : i1 to i32
        %cond3A_162 = arith.constant 0 : i32
        %cond3A_163 = arith.cmpi ne, %convert_element_type3A_161, %cond3A_162 : i32
        scf.if %cond3A_163 {
          %dma_wait3A = arith.constant 0 : i32
          %dma_wait3A_169 = arith.constant 0 : i32
          %dma_wait3A_170 = arith.constant 0 : i32
          %dma_wait3A_171 = arith.constant 0 : i32
          %dma_wait3A_172 = arith.constant 0 : i32
          %dma_wait3A_173 = tpu.memref_slice %arg11[%dma_wait3A, %dma_wait3A_171, %dma_wait3A_172] : memref<2x128x80xf32, #tpu.memory_space<vmem>> -> memref<1x128x80xf32, #tpu.memory_space<vmem>>
          %dma_wait3A_174 = tpu.memref_squeeze %dma_wait3A_173 : memref<1x128x80xf32, #tpu.memory_space<vmem>> -> memref<128x80xf32, #tpu.memory_space<vmem>>
          %dma_wait3A_175 = arith.constant 0 : i32
          %dma_wait3A_176 = tpu.memref_slice %arg10[%dma_wait3A_169, %dma_wait3A_170, %dma_wait3A_175] : memref<3x2x128xi32, #tpu.memory_space<vmem>> -> memref<1x1x128xi32, #tpu.memory_space<vmem>>
          %dma_wait3A_177 = tpu.memref_squeeze %dma_wait3A_176 : memref<1x1x128xi32, #tpu.memory_space<vmem>> -> memref<128xi32, #tpu.memory_space<vmem>>
          %dma_wait3A_178 = arith.constant 0 : i32
          %dma_wait3A_179 = arith.constant 0 : i32
          %dma_wait3A_180 = tpu.memref_slice %arg14[%dma_wait3A_178, %dma_wait3A_179] : memref<10112x80xf32, #tpu.memory_space<vmem_shared>> -> memref<10112x80xf32, #tpu.memory_space<vmem_shared>>
          tpu.wait_indirect_dma semaphore(%arg19 : memref<!tpu.dma_semaphore, #tpu.memory_space<semaphore_mem>>) src(%dma_wait3A_174 : memref<128x80xf32, #tpu.memory_space<vmem>>) dst(%dma_wait3A_180 : memref<10112x80xf32, #tpu.memory_space<vmem_shared>>)
        } else {
        }
        %eq3A_164 = arith.constant 1 : i32
        %eq3A_165 = arith.cmpi eq, %arg0, %eq3A_164 : i32
        %convert_element_type3A_166 = arith.extui %eq3A_165 : i1 to i32
        %cond3A_167 = arith.constant 0 : i32
        %cond3A_168 = arith.cmpi ne, %convert_element_type3A_166, %cond3A_167 : i32
        scf.if %cond3A_168 {
          %dma_wait3A = arith.constant 0 : i32
          %dma_wait3A_169 = arith.constant 0 : i32
          %dma_wait3A_170 = arith.constant 0 : i32
          %dma_wait3A_171 = arith.constant 0 : i32
          %dma_wait3A_172 = arith.constant 0 : i32
          %dma_wait3A_173 = tpu.memref_slice %arg12[%dma_wait3A, %dma_wait3A_171, %dma_wait3A_172] : memref<2x128x64xf32, #tpu.memory_space<vmem>> -> memref<1x128x64xf32, #tpu.memory_space<vmem>>
          %dma_wait3A_174 = tpu.memref_squeeze %dma_wait3A_173 : memref<1x128x64xf32, #tpu.memory_space<vmem>> -> memref<128x64xf32, #tpu.memory_space<vmem>>
          %dma_wait3A_175 = arith.constant 0 : i32
          %dma_wait3A_176 = tpu.memref_slice %arg10[%dma_wait3A_169, %dma_wait3A_170, %dma_wait3A_175] : memref<3x2x128xi32, #tpu.memory_space<vmem>> -> memref<1x1x128xi32, #tpu.memory_space<vmem>>
          %dma_wait3A_177 = tpu.memref_squeeze %dma_wait3A_176 : memref<1x1x128xi32, #tpu.memory_space<vmem>> -> memref<128xi32, #tpu.memory_space<vmem>>
          %dma_wait3A_178 = arith.constant 0 : i32
          %dma_wait3A_179 = arith.constant 0 : i32
          %dma_wait3A_180 = tpu.memref_slice %arg15[%dma_wait3A_178, %dma_wait3A_179] : memref<10112x64xf32, #tpu.memory_space<vmem_shared>> -> memref<10112x64xf32, #tpu.memory_space<vmem_shared>>
          tpu.wait_indirect_dma semaphore(%arg19 : memref<!tpu.dma_semaphore, #tpu.memory_space<semaphore_mem>>) src(%dma_wait3A_174 : memref<128x64xf32, #tpu.memory_space<vmem>>) dst(%dma_wait3A_180 : memref<10112x64xf32, #tpu.memory_space<vmem_shared>>)
        } else {
        }
      } else {
      }
      %lt3A = arith.constant 156 : i32
      %lt3A_130 = arith.cmpi slt, %scan3A_103, %lt3A : i32
      %convert_element_type3A_131 = arith.extui %lt3A_130 : i1 to i32
      %cond3A_132 = arith.constant 0 : i32
      %cond3A_133 = arith.cmpi ne, %convert_element_type3A_131, %cond3A_132 : i32
      scf.if %cond3A_133 {
        %dma_wait3A = arith.constant 0 : i32
        %dma_wait3A_159 = arith.constant 0 : i32
        %dma_wait3A_160 = arith.constant 0 : i32
        %dma_wait3A_161 = tpu.memref_slice %arg10[%dma_wait3A, %dma_wait3A_159, %dma_wait3A_160] : memref<3x2x128xi32, #tpu.memory_space<vmem>> -> memref<1x2x128xi32, #tpu.memory_space<vmem>>
        %dma_wait3A_162 = arith.constant 0 : i32
        %dma_wait3A_163 = arith.constant 0 : i32
        %dma_wait3A_164 = arith.constant 0 : i32
        %dma_wait3A_165 = tpu.memref_slice %arg2[%dma_wait3A_162, %dma_wait3A_163, %dma_wait3A_164] : memref<2512x2x128xi32, #tpu.memory_space<hbm>> -> memref<1x2x128xi32, #tpu.memory_space<hbm>>
        %dma_wait3A_166 = arith.constant 0 : i32
        %dma_wait3A_167 = arith.constant 0 : i32
        %dma_wait3A_168 = arith.constant 0 : i32
        %dma_wait3A_169 = tpu.memref_slice %arg10[%dma_wait3A_166, %dma_wait3A_167, %dma_wait3A_168] : memref<3x2x128xi32, #tpu.memory_space<vmem>> -> memref<1x2x128xi32, #tpu.memory_space<vmem>>
        %dma_wait3A_170 = arith.constant 0 : i32
        %dma_wait3A_171 = arith.constant 0 : i32
        %dma_wait3A_172 = arith.constant 0 : i32
        %dma_wait3A_173 = tpu.memref_slice %arg2[%dma_wait3A_170, %dma_wait3A_171, %dma_wait3A_172] : memref<2512x2x128xi32, #tpu.memory_space<hbm>> -> memref<1x2x128xi32, #tpu.memory_space<hbm>>
        tpu.wait_dma2 semaphore(%arg18 : memref<!tpu.dma_semaphore, #tpu.memory_space<semaphore_mem>>) src(%dma_wait3A_173 : memref<1x2x128xi32, #tpu.memory_space<hbm>>) dst(%dma_wait3A_169 : memref<1x2x128xi32, #tpu.memory_space<vmem>>)
        %eq3A_174 = arith.constant 0 : i32
        %eq3A_175 = arith.cmpi eq, %arg0, %eq3A_174 : i32
        %convert_element_type3A_176 = arith.extui %eq3A_175 : i1 to i32
        %cond3A_177 = arith.constant 0 : i32
        %cond3A_178 = arith.cmpi ne, %convert_element_type3A_176, %cond3A_177 : i32
        scf.if %cond3A_178 {
          %dma_start3A_184 = arith.constant 1 : i32
          %dma_start3A_185 = arith.constant 0 : i32
          %dma_start3A_186 = arith.constant 0 : i32
          %dma_start3A_187 = tpu.memref_slice %arg11[%sub3A_105, %dma_start3A_185, %dma_start3A_186] : memref<2x128x80xf32, #tpu.memory_space<vmem>> -> memref<1x128x80xf32, #tpu.memory_space<vmem>>
          %dma_start3A_188 = tpu.memref_squeeze %dma_start3A_187 : memref<1x128x80xf32, #tpu.memory_space<vmem>> -> memref<128x80xf32, #tpu.memory_space<vmem>>
          %dma_start3A_189 = arith.constant 0 : i32
          %dma_start3A_190 = tpu.memref_slice %arg10[%rem3A_111, %dma_start3A_184, %dma_start3A_189] : memref<3x2x128xi32, #tpu.memory_space<vmem>> -> memref<1x1x128xi32, #tpu.memory_space<vmem>>
          %dma_start3A_191 = tpu.memref_squeeze %dma_start3A_190 : memref<1x1x128xi32, #tpu.memory_space<vmem>> -> memref<128xi32, #tpu.memory_space<vmem>>
          %dma_start3A_192 = arith.constant 0 : i32
          %dma_start3A_193 = arith.constant 0 : i32
          %dma_start3A_194 = tpu.memref_slice %arg3[%dma_start3A_192, %dma_start3A_193] : memref<10000x80xf32, #tpu.memory_space<hbm>> -> memref<10000x80xf32, #tpu.memory_space<hbm>>
          tpu.enqueue_indirect_dma source(%dma_start3A_194 : memref<10000x80xf32, #tpu.memory_space<hbm>>) target(%dma_start3A_188 : memref<128x80xf32, #tpu.memory_space<vmem>>) offsets(%dma_start3A_191 : memref<128xi32, #tpu.memory_space<vmem>>) semaphore(%arg16 : memref<!tpu.dma_semaphore, #tpu.memory_space<semaphore_mem>>)
        } else {
        }
        %eq3A_179 = arith.constant 1 : i32
        %eq3A_180 = arith.cmpi eq, %arg0, %eq3A_179 : i32
        %convert_element_type3A_181 = arith.extui %eq3A_180 : i1 to i32
        %cond3A_182 = arith.constant 0 : i32
        %cond3A_183 = arith.cmpi ne, %convert_element_type3A_181, %cond3A_182 : i32
        scf.if %cond3A_183 {
          %dma_start3A_184 = arith.constant 1 : i32
          %dma_start3A_185 = arith.constant 0 : i32
          %dma_start3A_186 = arith.constant 0 : i32
          %dma_start3A_187 = tpu.memref_slice %arg12[%sub3A_105, %dma_start3A_185, %dma_start3A_186] : memref<2x128x64xf32, #tpu.memory_space<vmem>> -> memref<1x128x64xf32, #tpu.memory_space<vmem>>
          %dma_start3A_188 = tpu.memref_squeeze %dma_start3A_187 : memref<1x128x64xf32, #tpu.memory_space<vmem>> -> memref<128x64xf32, #tpu.memory_space<vmem>>
          %dma_start3A_189 = arith.constant 0 : i32
          %dma_start3A_190 = tpu.memref_slice %arg10[%rem3A_111, %dma_start3A_184, %dma_start3A_189] : memref<3x2x128xi32, #tpu.memory_space<vmem>> -> memref<1x1x128xi32, #tpu.memory_space<vmem>>
          %dma_start3A_191 = tpu.memref_squeeze %dma_start3A_190 : memref<1x1x128xi32, #tpu.memory_space<vmem>> -> memref<128xi32, #tpu.memory_space<vmem>>
          %dma_start3A_192 = arith.constant 0 : i32
          %dma_start3A_193 = arith.constant 0 : i32
          %dma_start3A_194 = tpu.memref_slice %arg4[%dma_start3A_192, %dma_start3A_193] : memref<10000x64xf32, #tpu.memory_space<hbm>> -> memref<10000x64xf32, #tpu.memory_space<hbm>>
          tpu.enqueue_indirect_dma source(%dma_start3A_194 : memref<10000x64xf32, #tpu.memory_space<hbm>>) target(%dma_start3A_188 : memref<128x64xf32, #tpu.memory_space<vmem>>) offsets(%dma_start3A_191 : memref<128xi32, #tpu.memory_space<vmem>>) semaphore(%arg16 : memref<!tpu.dma_semaphore, #tpu.memory_space<semaphore_mem>>)
        } else {
        }
      } else {
      }
      %lt3A_134 = arith.constant 155 : i32
      %lt3A_135 = arith.cmpi slt, %scan3A_103, %lt3A_134 : i32
      %convert_element_type3A_136 = arith.extui %lt3A_135 : i1 to i32
      %cond3A_137 = arith.constant 0 : i32
      %cond3A_138 = arith.cmpi ne, %convert_element_type3A_136, %cond3A_137 : i32
      scf.if %cond3A_138 {
        %add3A_159 = arith.constant 2 : i32
        %add3A_160 = arith.addi %scan3A_103, %add3A_159 : i32
        %mul3A_161 = arith.constant 16 : i32
        %mul3A_162 = arith.muli %mul3A_161, %add3A_160 : i32
        %add3A_163 = arith.addi %arg1, %mul3A_162 : i32
        %dma_start3A_164 = arith.constant 0 : i32
        %dma_start3A_165 = arith.constant 0 : i32
        %dma_start3A_166 = tpu.memref_slice %arg10[%rem3A_115, %dma_start3A_164, %dma_start3A_165] : memref<3x2x128xi32, #tpu.memory_space<vmem>> -> memref<1x2x128xi32, #tpu.memory_space<vmem>>
        %dma_start3A_167 = arith.constant 0 : i32
        %dma_start3A_168 = arith.constant 0 : i32
        %dma_start3A_169 = tpu.memref_slice %arg2[%add3A_163, %dma_start3A_167, %dma_start3A_168] : memref<2512x2x128xi32, #tpu.memory_space<hbm>> -> memref<1x2x128xi32, #tpu.memory_space<hbm>>
        %dma_start3A_170 = arith.constant 0 : i32
        %dma_start3A_171 = arith.constant 0 : i32
        %dma_start3A_172 = tpu.memref_slice %arg10[%rem3A_115, %dma_start3A_170, %dma_start3A_171] : memref<3x2x128xi32, #tpu.memory_space<vmem>> -> memref<1x2x128xi32, #tpu.memory_space<vmem>>
        %dma_start3A_173 = arith.constant 0 : i32
        %dma_start3A_174 = arith.constant 0 : i32
        %dma_start3A_175 = tpu.memref_slice %arg2[%add3A_163, %dma_start3A_173, %dma_start3A_174] : memref<2512x2x128xi32, #tpu.memory_space<hbm>> -> memref<1x2x128xi32, #tpu.memory_space<hbm>>
        tpu.enqueue_dma source(%dma_start3A_175 : memref<1x2x128xi32, #tpu.memory_space<hbm>>) target(%dma_start3A_172 : memref<1x2x128xi32, #tpu.memory_space<vmem>>) target_semaphore(%arg18 : memref<!tpu.dma_semaphore, #tpu.memory_space<semaphore_mem>>)
      } else {
      }
      %eq3A_139 = arith.constant 1 : i32
      %eq3A_140 = arith.cmpi eq, %arg0, %eq3A_139 : i32
      %convert_element_type3A_141 = arith.extui %eq3A_140 : i1 to i32
      %cond3A_142 = arith.constant 0 : i32
      %cond3A_143 = arith.cmpi ne, %convert_element_type3A_141, %cond3A_142 : i32
      scf.if %cond3A_143 {
        %broadcast_in_dim3A = arith.constant 0 : i32
        %broadcast_in_dim3A_159 = vector.broadcast %broadcast_in_dim3A : i32 to vector<16xi32>
        %add3A_160 = vector.broadcast %rem3A_104 : i32 to vector<16xi32>
        %add3A_161 = arith.addi %broadcast_in_dim3A_159, %add3A_160 : vector<16xi32>
        %add3A_162 = arith.constant 0 : i32
        %add3A_163 = vector.broadcast %add3A_162 : i32 to vector<16xi32>
        %add3A_164 = arith.addi %add3A_163, %iota3A : vector<16xi32>
        %broadcast_in_dim3A_165 = arith.constant 0 : i32
        %broadcast_in_dim3A_166 = vector.broadcast %broadcast_in_dim3A_165 : i32 to vector<16xi32>
        %gather3A = tpu.vector_load_idx %arg13[%add3A_164, %broadcast_in_dim3A_166] : memref<128x16xf32, #tpu.memory_space<vmem>>[vector<16xi32>, vector<16xi32>], vector<16xf32>,
        %add3A_167 = arith.constant 1 : i32
        %add3A_168 = vector.broadcast %add3A_167 : i32 to vector<16xi32>
        %add3A_169 = arith.addi %broadcast_in_dim3A_166, %add3A_168 : vector<16xi32>
        %gather3A_170 = tpu.vector_load_idx %arg13[%add3A_164, %add3A_169] : memref<128x16xf32, #tpu.memory_space<vmem>>[vector<16xi32>, vector<16xi32>], vector<16xf32>,
        %add3A_171 = arith.constant 2 : i32
        %add3A_172 = vector.broadcast %add3A_171 : i32 to vector<16xi32>
        %add3A_173 = arith.addi %broadcast_in_dim3A_166, %add3A_172 : vector<16xi32>
        %gather3A_174 = tpu.vector_load_idx %arg13[%add3A_164, %add3A_173] : memref<128x16xf32, #tpu.memory_space<vmem>>[vector<16xi32>, vector<16xi32>], vector<16xf32>,
        %add3A_175 = arith.constant 48 : i32
        %add3A_176 = vector.broadcast %add3A_175 : i32 to vector<16xi32>
        %add3A_177 = arith.addi %broadcast_in_dim3A_166, %add3A_176 : vector<16xi32>
        %gather3A_178 = tpu.vector_load_idx %arg12[%add3A_161, %add3A_164, %add3A_177] : memref<2x128x64xf32, #tpu.memory_space<vmem>>[vector<16xi32>, vector<16xi32>, vector<16xi32>], vector<16xf32>,
        %add3A_179 = arith.constant 48 : i32
        %add3A_180 = vector.broadcast %add3A_179 : i32 to vector<16xi32>
        %add3A_181 = arith.addi %broadcast_in_dim3A_166, %add3A_180 : vector<16xi32>
        %add3A_182 = arith.constant 1 : i32
        %add3A_183 = vector.broadcast %add3A_182 : i32 to vector<16xi32>
        %add3A_184 = arith.addi %add3A_181, %add3A_183 : vector<16xi32>
        %gather3A_185 = tpu.vector_load_idx %arg12[%add3A_161, %add3A_164, %add3A_184] : memref<2x128x64xf32, #tpu.memory_space<vmem>>[vector<16xi32>, vector<16xi32>, vector<16xi32>], vector<16xf32>,
        %add3A_186 = arith.constant 48 : i32
        %add3A_187 = vector.broadcast %add3A_186 : i32 to vector<16xi32>
        %add3A_188 = arith.addi %broadcast_in_dim3A_166, %add3A_187 : vector<16xi32>
        %add3A_189 = arith.constant 2 : i32
        %add3A_190 = vector.broadcast %add3A_189 : i32 to vector<16xi32>
        %add3A_191 = arith.addi %add3A_188, %add3A_190 : vector<16xi32>
        %gather3A_192 = tpu.vector_load_idx %arg12[%add3A_161, %add3A_164, %add3A_191] : memref<2x128x64xf32, #tpu.memory_space<vmem>>[vector<16xi32>, vector<16xi32>, vector<16xi32>], vector<16xf32>,
        %sub3A_193 = arith.subf %gather3A_178, %gather3A : vector<16xf32>
        %sub3A_194 = arith.subf %gather3A_185, %gather3A_170 : vector<16xf32>
        %sub3A_195 = arith.subf %gather3A_192, %gather3A_174 : vector<16xf32>
        %mul3A_196 = arith.mulf %sub3A_193, %sub3A_193 : vector<16xf32>
        %mul3A_197 = arith.mulf %sub3A_194, %sub3A_194 : vector<16xf32>
        %add3A_198 = arith.addf %mul3A_196, %mul3A_197 : vector<16xf32>
        %mul3A_199 = arith.mulf %sub3A_195, %sub3A_195 : vector<16xf32>
        %add3A_200 = arith.addf %add3A_198, %mul3A_199 : vector<16xf32>
        %bitcast3A = vector.bitcast %add3A_200 : vector<16xf32> to vector<16xi32>
        %shift_right_logical3A = arith.constant 1 : i32
        %shift_right_logical3A_201 = vector.broadcast %shift_right_logical3A : i32 to vector<16xi32>
        %shift_right_logical3A_202 = arith.shrui %bitcast3A, %shift_right_logical3A_201 : vector<16xi32>
        %sub3A_203 = arith.constant 1597463007 : i32
        %sub3A_204 = vector.broadcast %sub3A_203 : i32 to vector<16xi32>
        %sub3A_205 = arith.subi %sub3A_204, %shift_right_logical3A_202 : vector<16xi32>
        %bitcast3A_206 = vector.bitcast %sub3A_205 : vector<16xi32> to vector<16xf32>
        %mul3A_207 = arith.constant 5.000000e-01 : f32
        %mul3A_208 = vector.broadcast %mul3A_207 : f32 to vector<16xf32>
        %mul3A_209 = arith.mulf %add3A_200, %mul3A_208 : vector<16xf32>
        %mul3A_210 = arith.mulf %mul3A_209, %bitcast3A_206 : vector<16xf32>
        %mul3A_211 = arith.mulf %mul3A_210, %bitcast3A_206 : vector<16xf32>
        %sub3A_212 = arith.constant 1.500000e+00 : f32
        %sub3A_213 = vector.broadcast %sub3A_212 : f32 to vector<16xf32>
        %sub3A_214 = arith.subf %sub3A_213, %mul3A_211 : vector<16xf32>
        %mul3A_215 = arith.mulf %bitcast3A_206, %sub3A_214 : vector<16xf32>
        %mul3A_216 = arith.mulf %mul3A_209, %mul3A_215 : vector<16xf32>
        %mul3A_217 = arith.mulf %mul3A_216, %mul3A_215 : vector<16xf32>
        %sub3A_218 = arith.constant 1.500000e+00 : f32
        %sub3A_219 = vector.broadcast %sub3A_218 : f32 to vector<16xf32>
        %sub3A_220 = arith.subf %sub3A_219, %mul3A_217 : vector<16xf32>
        %mul3A_221 = arith.mulf %mul3A_215, %sub3A_220 : vector<16xf32>
        %mul3A_222 = arith.mulf %mul3A_209, %mul3A_221 : vector<16xf32>
        %mul3A_223 = arith.mulf %mul3A_222, %mul3A_221 : vector<16xf32>
        %sub3A_224 = arith.constant 1.500000e+00 : f32
        %sub3A_225 = vector.broadcast %sub3A_224 : f32 to vector<16xf32>
        %sub3A_226 = arith.subf %sub3A_225, %mul3A_223 : vector<16xf32>
        %mul3A_227 = arith.mulf %mul3A_221, %sub3A_226 : vector<16xf32>
        %broadcast_in_dim3A_228 = arith.constant 1.000000e+00 : f32
        %broadcast_in_dim3A_229 = vector.broadcast %broadcast_in_dim3A_228 : f32 to vector<16xf32>
        %add3A_230 = arith.constant 48 : i32
        %add3A_231 = vector.broadcast %add3A_230 : i32 to vector<16xi32>
        %add3A_232 = arith.addi %broadcast_in_dim3A_166, %add3A_231 : vector<16xi32>
        tpu.vector_store_idx %arg12[%add3A_161, %add3A_164, %add3A_232], %broadcast_in_dim3A_229 : memref<2x128x64xf32, #tpu.memory_space<vmem>>[vector<16xi32>, vector<16xi32>, vector<16xi32>], vector<16xf32>,
        %add3A_233 = arith.constant 48 : i32
        %add3A_234 = vector.broadcast %add3A_233 : i32 to vector<16xi32>
        %add3A_235 = arith.addi %broadcast_in_dim3A_166, %add3A_234 : vector<16xi32>
        %add3A_236 = arith.constant 1 : i32
        %add3A_237 = vector.broadcast %add3A_236 : i32 to vector<16xi32>
        %add3A_238 = arith.addi %add3A_235, %add3A_237 : vector<16xi32>
        %mul3A_239 = arith.mulf %add3A_200, %mul3A_227 : vector<16xf32>
        tpu.vector_store_idx %arg12[%add3A_161, %add3A_164, %add3A_238], %mul3A_239 : memref<2x128x64xf32, #tpu.memory_space<vmem>>[vector<16xi32>, vector<16xi32>, vector<16xi32>], vector<16xf32>,
        %add3A_240 = arith.constant 48 : i32
        %add3A_241 = vector.broadcast %add3A_240 : i32 to vector<16xi32>
        %add3A_242 = arith.addi %broadcast_in_dim3A_166, %add3A_241 : vector<16xi32>
        %add3A_243 = arith.constant 2 : i32
        %add3A_244 = vector.broadcast %add3A_243 : i32 to vector<16xi32>
        %add3A_245 = arith.addi %add3A_242, %add3A_244 : vector<16xi32>
        %mul3A_246 = arith.mulf %sub3A_193, %mul3A_227 : vector<16xf32>
        tpu.vector_store_idx %arg12[%add3A_161, %add3A_164, %add3A_245], %mul3A_246 : memref<2x128x64xf32, #tpu.memory_space<vmem>>[vector<16xi32>, vector<16xi32>, vector<16xi32>], vector<16xf32>,
        %add3A_247 = arith.constant 48 : i32
        %add3A_248 = vector.broadcast %add3A_247 : i32 to vector<16xi32>
        %add3A_249 = arith.addi %broadcast_in_dim3A_166, %add3A_248 : vector<16xi32>
        %add3A_250 = arith.constant 3 : i32
        %add3A_251 = vector.broadcast %add3A_250 : i32 to vector<16xi32>
        %add3A_252 = arith.addi %add3A_249, %add3A_251 : vector<16xi32>
        %mul3A_253 = arith.mulf %sub3A_194, %mul3A_227 : vector<16xf32>
        tpu.vector_store_idx %arg12[%add3A_161, %add3A_164, %add3A_252], %mul3A_253 : memref<2x128x64xf32, #tpu.memory_space<vmem>>[vector<16xi32>, vector<16xi32>, vector<16xi32>], vector<16xf32>,
        %add3A_254 = arith.constant 48 : i32
        %add3A_255 = vector.broadcast %add3A_254 : i32 to vector<16xi32>
        %add3A_256 = arith.addi %broadcast_in_dim3A_166, %add3A_255 : vector<16xi32>
        %add3A_257 = arith.constant 4 : i32
        %add3A_258 = vector.broadcast %add3A_257 : i32 to vector<16xi32>
        %add3A_259 = arith.addi %add3A_256, %add3A_258 : vector<16xi32>
        %mul3A_260 = arith.mulf %sub3A_195, %mul3A_227 : vector<16xf32>
        tpu.vector_store_idx %arg12[%add3A_161, %add3A_164, %add3A_259], %mul3A_260 : memref<2x128x64xf32, #tpu.memory_space<vmem>>[vector<16xi32>, vector<16xi32>, vector<16xi32>], vector<16xf32>,
        %add3A_261 = arith.constant 16 : i32
        %add3A_262 = vector.broadcast %add3A_261 : i32 to vector<16xi32>
        %add3A_263 = arith.addi %add3A_262, %iota3A : vector<16xi32>
        %broadcast_in_dim3A_264 = arith.constant 0 : i32
        %broadcast_in_dim3A_265 = vector.broadcast %broadcast_in_dim3A_264 : i32 to vector<16xi32>
        %gather3A_266 = tpu.vector_load_idx %arg13[%add3A_263, %broadcast_in_dim3A_265] : memref<128x16xf32, #tpu.memory_space<vmem>>[vector<16xi32>, vector<16xi32>], vector<16xf32>,
        %add3A_267 = arith.constant 1 : i32
        %add3A_268 = vector.broadcast %add3A_267 : i32 to vector<16xi32>
        %add3A_269 = arith.addi %broadcast_in_dim3A_265, %add3A_268 : vector<16xi32>
        %gather3A_270 = tpu.vector_load_idx %arg13[%add3A_263, %add3A_269] : memref<128x16xf32, #tpu.memory_space<vmem>>[vector<16xi32>, vector<16xi32>], vector<16xf32>,
        %add3A_271 = arith.constant 2 : i32
        %add3A_272 = vector.broadcast %add3A_271 : i32 to vector<16xi32>
        %add3A_273 = arith.addi %broadcast_in_dim3A_265, %add3A_272 : vector<16xi32>
        %gather3A_274 = tpu.vector_load_idx %arg13[%add3A_263, %add3A_273] : memref<128x16xf32, #tpu.memory_space<vmem>>[vector<16xi32>, vector<16xi32>], vector<16xf32>,
        %add3A_275 = arith.constant 48 : i32
        %add3A_276 = vector.broadcast %add3A_275 : i32 to vector<16xi32>
        %add3A_277 = arith.addi %broadcast_in_dim3A_265, %add3A_276 : vector<16xi32>
        %gather3A_278 = tpu.vector_load_idx %arg12[%add3A_161, %add3A_263, %add3A_277] : memref<2x128x64xf32, #tpu.memory_space<vmem>>[vector<16xi32>, vector<16xi32>, vector<16xi32>], vector<16xf32>,
        %add3A_279 = arith.constant 48 : i32
        %add3A_280 = vector.broadcast %add3A_279 : i32 to vector<16xi32>
        %add3A_281 = arith.addi %broadcast_in_dim3A_265, %add3A_280 : vector<16xi32>
        %add3A_282 = arith.constant 1 : i32
        %add3A_283 = vector.broadcast %add3A_282 : i32 to vector<16xi32>
        %add3A_284 = arith.addi %add3A_281, %add3A_283 : vector<16xi32>
        %gather3A_285 = tpu.vector_load_idx %arg12[%add3A_161, %add3A_263, %add3A_284] : memref<2x128x64xf32, #tpu.memory_space<vmem>>[vector<16xi32>, vector<16xi32>, vector<16xi32>], vector<16xf32>,
        %add3A_286 = arith.constant 48 : i32
        %add3A_287 = vector.broadcast %add3A_286 : i32 to vector<16xi32>
        %add3A_288 = arith.addi %broadcast_in_dim3A_265, %add3A_287 : vector<16xi32>
        %add3A_289 = arith.constant 2 : i32
        %add3A_290 = vector.broadcast %add3A_289 : i32 to vector<16xi32>
        %add3A_291 = arith.addi %add3A_288, %add3A_290 : vector<16xi32>
        %gather3A_292 = tpu.vector_load_idx %arg12[%add3A_161, %add3A_263, %add3A_291] : memref<2x128x64xf32, #tpu.memory_space<vmem>>[vector<16xi32>, vector<16xi32>, vector<16xi32>], vector<16xf32>,
        %sub3A_293 = arith.subf %gather3A_278, %gather3A_266 : vector<16xf32>
        %sub3A_294 = arith.subf %gather3A_285, %gather3A_270 : vector<16xf32>
        %sub3A_295 = arith.subf %gather3A_292, %gather3A_274 : vector<16xf32>
        %mul3A_296 = arith.mulf %sub3A_293, %sub3A_293 : vector<16xf32>
        %mul3A_297 = arith.mulf %sub3A_294, %sub3A_294 : vector<16xf32>
        %add3A_298 = arith.addf %mul3A_296, %mul3A_297 : vector<16xf32>
        %mul3A_299 = arith.mulf %sub3A_295, %sub3A_295 : vector<16xf32>
        %add3A_300 = arith.addf %add3A_298, %mul3A_299 : vector<16xf32>
        %bitcast3A_301 = vector.bitcast %add3A_300 : vector<16xf32> to vector<16xi32>
        %shift_right_logical3A_302 = arith.constant 1 : i32
        %shift_right_logical3A_303 = vector.broadcast %shift_right_logical3A_302 : i32 to vector<16xi32>
        %shift_right_logical3A_304 = arith.shrui %bitcast3A_301, %shift_right_logical3A_303 : vector<16xi32>
        %sub3A_305 = arith.constant 1597463007 : i32
        %sub3A_306 = vector.broadcast %sub3A_305 : i32 to vector<16xi32>
        %sub3A_307 = arith.subi %sub3A_306, %shift_right_logical3A_304 : vector<16xi32>
        %bitcast3A_308 = vector.bitcast %sub3A_307 : vector<16xi32> to vector<16xf32>
        %mul3A_309 = arith.constant 5.000000e-01 : f32
        %mul3A_310 = vector.broadcast %mul3A_309 : f32 to vector<16xf32>
        %mul3A_311 = arith.mulf %add3A_300, %mul3A_310 : vector<16xf32>
        %mul3A_312 = arith.mulf %mul3A_311, %bitcast3A_308 : vector<16xf32>
        %mul3A_313 = arith.mulf %mul3A_312, %bitcast3A_308 : vector<16xf32>
        %sub3A_314 = arith.constant 1.500000e+00 : f32
        %sub3A_315 = vector.broadcast %sub3A_314 : f32 to vector<16xf32>
        %sub3A_316 = arith.subf %sub3A_315, %mul3A_313 : vector<16xf32>
        %mul3A_317 = arith.mulf %bitcast3A_308, %sub3A_316 : vector<16xf32>
        %mul3A_318 = arith.mulf %mul3A_311, %mul3A_317 : vector<16xf32>
        %mul3A_319 = arith.mulf %mul3A_318, %mul3A_317 : vector<16xf32>
        %sub3A_320 = arith.constant 1.500000e+00 : f32
        %sub3A_321 = vector.broadcast %sub3A_320 : f32 to vector<16xf32>
        %sub3A_322 = arith.subf %sub3A_321, %mul3A_319 : vector<16xf32>
        %mul3A_323 = arith.mulf %mul3A_317, %sub3A_322 : vector<16xf32>
        %mul3A_324 = arith.mulf %mul3A_311, %mul3A_323 : vector<16xf32>
        %mul3A_325 = arith.mulf %mul3A_324, %mul3A_323 : vector<16xf32>
        %sub3A_326 = arith.constant 1.500000e+00 : f32
        %sub3A_327 = vector.broadcast %sub3A_326 : f32 to vector<16xf32>
        %sub3A_328 = arith.subf %sub3A_327, %mul3A_325 : vector<16xf32>
        %mul3A_329 = arith.mulf %mul3A_323, %sub3A_328 : vector<16xf32>
        %broadcast_in_dim3A_330 = arith.constant 1.000000e+00 : f32
        %broadcast_in_dim3A_331 = vector.broadcast %broadcast_in_dim3A_330 : f32 to vector<16xf32>
        %add3A_332 = arith.constant 48 : i32
        %add3A_333 = vector.broadcast %add3A_332 : i32 to vector<16xi32>
        %add3A_334 = arith.addi %broadcast_in_dim3A_265, %add3A_333 : vector<16xi32>
        tpu.vector_store_idx %arg12[%add3A_161, %add3A_263, %add3A_334], %broadcast_in_dim3A_331 : memref<2x128x64xf32, #tpu.memory_space<vmem>>[vector<16xi32>, vector<16xi32>, vector<16xi32>], vector<16xf32>,
        %add3A_335 = arith.constant 48 : i32
        %add3A_336 = vector.broadcast %add3A_335 : i32 to vector<16xi32>
        %add3A_337 = arith.addi %broadcast_in_dim3A_265, %add3A_336 : vector<16xi32>
        %add3A_338 = arith.constant 1 : i32
        %add3A_339 = vector.broadcast %add3A_338 : i32 to vector<16xi32>
        %add3A_340 = arith.addi %add3A_337, %add3A_339 : vector<16xi32>
        %mul3A_341 = arith.mulf %add3A_300, %mul3A_329 : vector<16xf32>
        tpu.vector_store_idx %arg12[%add3A_161, %add3A_263, %add3A_340], %mul3A_341 : memref<2x128x64xf32, #tpu.memory_space<vmem>>[vector<16xi32>, vector<16xi32>, vector<16xi32>], vector<16xf32>,
        %add3A_342 = arith.constant 48 : i32
        %add3A_343 = vector.broadcast %add3A_342 : i32 to vector<16xi32>
        %add3A_344 = arith.addi %broadcast_in_dim3A_265, %add3A_343 : vector<16xi32>
        %add3A_345 = arith.constant 2 : i32
        %add3A_346 = vector.broadcast %add3A_345 : i32 to vector<16xi32>
        %add3A_347 = arith.addi %add3A_344, %add3A_346 : vector<16xi32>
        %mul3A_348 = arith.mulf %sub3A_293, %mul3A_329 : vector<16xf32>
        tpu.vector_store_idx %arg12[%add3A_161, %add3A_263, %add3A_347], %mul3A_348 : memref<2x128x64xf32, #tpu.memory_space<vmem>>[vector<16xi32>, vector<16xi32>, vector<16xi32>], vector<16xf32>,
        %add3A_349 = arith.constant 48 : i32
        %add3A_350 = vector.broadcast %add3A_349 : i32 to vector<16xi32>
        %add3A_351 = arith.addi %broadcast_in_dim3A_265, %add3A_350 : vector<16xi32>
        %add3A_352 = arith.constant 3 : i32
        %add3A_353 = vector.broadcast %add3A_352 : i32 to vector<16xi32>
        %add3A_354 = arith.addi %add3A_351, %add3A_353 : vector<16xi32>
        %mul3A_355 = arith.mulf %sub3A_294, %mul3A_329 : vector<16xf32>
        tpu.vector_store_idx %arg12[%add3A_161, %add3A_263, %add3A_354], %mul3A_355 : memref<2x128x64xf32, #tpu.memory_space<vmem>>[vector<16xi32>, vector<16xi32>, vector<16xi32>], vector<16xf32>,
        %add3A_356 = arith.constant 48 : i32
        %add3A_357 = vector.broadcast %add3A_356 : i32 to vector<16xi32>
        %add3A_358 = arith.addi %broadcast_in_dim3A_265, %add3A_357 : vector<16xi32>
        %add3A_359 = arith.constant 4 : i32
        %add3A_360 = vector.broadcast %add3A_359 : i32 to vector<16xi32>
        %add3A_361 = arith.addi %add3A_358, %add3A_360 : vector<16xi32>
        %mul3A_362 = arith.mulf %sub3A_295, %mul3A_329 : vector<16xf32>
        tpu.vector_store_idx %arg12[%add3A_161, %add3A_263, %add3A_361], %mul3A_362 : memref<2x128x64xf32, #tpu.memory_space<vmem>>[vector<16xi32>, vector<16xi32>, vector<16xi32>], vector<16xf32>,
        %add3A_363 = arith.constant 32 : i32
        %add3A_364 = vector.broadcast %add3A_363 : i32 to vector<16xi32>
        %add3A_365 = arith.addi %add3A_364, %iota3A : vector<16xi32>
        %broadcast_in_dim3A_366 = arith.constant 0 : i32
        %broadcast_in_dim3A_367 = vector.broadcast %broadcast_in_dim3A_366 : i32 to vector<16xi32>
        %gather3A_368 = tpu.vector_load_idx %arg13[%add3A_365, %broadcast_in_dim3A_367] : memref<128x16xf32, #tpu.memory_space<vmem>>[vector<16xi32>, vector<16xi32>], vector<16xf32>,
        %add3A_369 = arith.constant 1 : i32
        %add3A_370 = vector.broadcast %add3A_369 : i32 to vector<16xi32>
        %add3A_371 = arith.addi %broadcast_in_dim3A_367, %add3A_370 : vector<16xi32>
        %gather3A_372 = tpu.vector_load_idx %arg13[%add3A_365, %add3A_371] : memref<128x16xf32, #tpu.memory_space<vmem>>[vector<16xi32>, vector<16xi32>], vector<16xf32>,
        %add3A_373 = arith.constant 2 : i32
        %add3A_374 = vector.broadcast %add3A_373 : i32 to vector<16xi32>
        %add3A_375 = arith.addi %broadcast_in_dim3A_367, %add3A_374 : vector<16xi32>
        %gather3A_376 = tpu.vector_load_idx %arg13[%add3A_365, %add3A_375] : memref<128x16xf32, #tpu.memory_space<vmem>>[vector<16xi32>, vector<16xi32>], vector<16xf32>,
        %add3A_377 = arith.constant 48 : i32
        %add3A_378 = vector.broadcast %add3A_377 : i32 to vector<16xi32>
        %add3A_379 = arith.addi %broadcast_in_dim3A_367, %add3A_378 : vector<16xi32>
        %gather3A_380 = tpu.vector_load_idx %arg12[%add3A_161, %add3A_365, %add3A_379] : memref<2x128x64xf32, #tpu.memory_space<vmem>>[vector<16xi32>, vector<16xi32>, vector<16xi32>], vector<16xf32>,
        %add3A_381 = arith.constant 48 : i32
        %add3A_382 = vector.broadcast %add3A_381 : i32 to vector<16xi32>
        %add3A_383 = arith.addi %broadcast_in_dim3A_367, %add3A_382 : vector<16xi32>
        %add3A_384 = arith.constant 1 : i32
        %add3A_385 = vector.broadcast %add3A_384 : i32 to vector<16xi32>
        %add3A_386 = arith.addi %add3A_383, %add3A_385 : vector<16xi32>
        %gather3A_387 = tpu.vector_load_idx %arg12[%add3A_161, %add3A_365, %add3A_386] : memref<2x128x64xf32, #tpu.memory_space<vmem>>[vector<16xi32>, vector<16xi32>, vector<16xi32>], vector<16xf32>,
        %add3A_388 = arith.constant 48 : i32
        %add3A_389 = vector.broadcast %add3A_388 : i32 to vector<16xi32>
        %add3A_390 = arith.addi %broadcast_in_dim3A_367, %add3A_389 : vector<16xi32>
        %add3A_391 = arith.constant 2 : i32
        %add3A_392 = vector.broadcast %add3A_391 : i32 to vector<16xi32>
        %add3A_393 = arith.addi %add3A_390, %add3A_392 : vector<16xi32>
        %gather3A_394 = tpu.vector_load_idx %arg12[%add3A_161, %add3A_365, %add3A_393] : memref<2x128x64xf32, #tpu.memory_space<vmem>>[vector<16xi32>, vector<16xi32>, vector<16xi32>], vector<16xf32>,
        %sub3A_395 = arith.subf %gather3A_380, %gather3A_368 : vector<16xf32>
        %sub3A_396 = arith.subf %gather3A_387, %gather3A_372 : vector<16xf32>
        %sub3A_397 = arith.subf %gather3A_394, %gather3A_376 : vector<16xf32>
        %mul3A_398 = arith.mulf %sub3A_395, %sub3A_395 : vector<16xf32>
        %mul3A_399 = arith.mulf %sub3A_396, %sub3A_396 : vector<16xf32>
        %add3A_400 = arith.addf %mul3A_398, %mul3A_399 : vector<16xf32>
        %mul3A_401 = arith.mulf %sub3A_397, %sub3A_397 : vector<16xf32>
        %add3A_402 = arith.addf %add3A_400, %mul3A_401 : vector<16xf32>
        %bitcast3A_403 = vector.bitcast %add3A_402 : vector<16xf32> to vector<16xi32>
        %shift_right_logical3A_404 = arith.constant 1 : i32
        %shift_right_logical3A_405 = vector.broadcast %shift_right_logical3A_404 : i32 to vector<16xi32>
        %shift_right_logical3A_406 = arith.shrui %bitcast3A_403, %shift_right_logical3A_405 : vector<16xi32>
        %sub3A_407 = arith.constant 1597463007 : i32
        %sub3A_408 = vector.broadcast %sub3A_407 : i32 to vector<16xi32>
        %sub3A_409 = arith.subi %sub3A_408, %shift_right_logical3A_406 : vector<16xi32>
        %bitcast3A_410 = vector.bitcast %sub3A_409 : vector<16xi32> to vector<16xf32>
        %mul3A_411 = arith.constant 5.000000e-01 : f32
        %mul3A_412 = vector.broadcast %mul3A_411 : f32 to vector<16xf32>
        %mul3A_413 = arith.mulf %add3A_402, %mul3A_412 : vector<16xf32>
        %mul3A_414 = arith.mulf %mul3A_413, %bitcast3A_410 : vector<16xf32>
        %mul3A_415 = arith.mulf %mul3A_414, %bitcast3A_410 : vector<16xf32>
        %sub3A_416 = arith.constant 1.500000e+00 : f32
        %sub3A_417 = vector.broadcast %sub3A_416 : f32 to vector<16xf32>
        %sub3A_418 = arith.subf %sub3A_417, %mul3A_415 : vector<16xf32>
        %mul3A_419 = arith.mulf %bitcast3A_410, %sub3A_418 : vector<16xf32>
        %mul3A_420 = arith.mulf %mul3A_413, %mul3A_419 : vector<16xf32>
        %mul3A_421 = arith.mulf %mul3A_420, %mul3A_419 : vector<16xf32>
        %sub3A_422 = arith.constant 1.500000e+00 : f32
        %sub3A_423 = vector.broadcast %sub3A_422 : f32 to vector<16xf32>
        %sub3A_424 = arith.subf %sub3A_423, %mul3A_421 : vector<16xf32>
        %mul3A_425 = arith.mulf %mul3A_419, %sub3A_424 : vector<16xf32>
        %mul3A_426 = arith.mulf %mul3A_413, %mul3A_425 : vector<16xf32>
        %mul3A_427 = arith.mulf %mul3A_426, %mul3A_425 : vector<16xf32>
        %sub3A_428 = arith.constant 1.500000e+00 : f32
        %sub3A_429 = vector.broadcast %sub3A_428 : f32 to vector<16xf32>
        %sub3A_430 = arith.subf %sub3A_429, %mul3A_427 : vector<16xf32>
        %mul3A_431 = arith.mulf %mul3A_425, %sub3A_430 : vector<16xf32>
        %broadcast_in_dim3A_432 = arith.constant 1.000000e+00 : f32
        %broadcast_in_dim3A_433 = vector.broadcast %broadcast_in_dim3A_432 : f32 to vector<16xf32>
        %add3A_434 = arith.constant 48 : i32
        %add3A_435 = vector.broadcast %add3A_434 : i32 to vector<16xi32>
        %add3A_436 = arith.addi %broadcast_in_dim3A_367, %add3A_435 : vector<16xi32>
        tpu.vector_store_idx %arg12[%add3A_161, %add3A_365, %add3A_436], %broadcast_in_dim3A_433 : memref<2x128x64xf32, #tpu.memory_space<vmem>>[vector<16xi32>, vector<16xi32>, vector<16xi32>], vector<16xf32>,
        %add3A_437 = arith.constant 48 : i32
        %add3A_438 = vector.broadcast %add3A_437 : i32 to vector<16xi32>
        %add3A_439 = arith.addi %broadcast_in_dim3A_367, %add3A_438 : vector<16xi32>
        %add3A_440 = arith.constant 1 : i32
        %add3A_441 = vector.broadcast %add3A_440 : i32 to vector<16xi32>
        %add3A_442 = arith.addi %add3A_439, %add3A_441 : vector<16xi32>
        %mul3A_443 = arith.mulf %add3A_402, %mul3A_431 : vector<16xf32>
        tpu.vector_store_idx %arg12[%add3A_161, %add3A_365, %add3A_442], %mul3A_443 : memref<2x128x64xf32, #tpu.memory_space<vmem>>[vector<16xi32>, vector<16xi32>, vector<16xi32>], vector<16xf32>,
        %add3A_444 = arith.constant 48 : i32
        %add3A_445 = vector.broadcast %add3A_444 : i32 to vector<16xi32>
        %add3A_446 = arith.addi %broadcast_in_dim3A_367, %add3A_445 : vector<16xi32>
        %add3A_447 = arith.constant 2 : i32
        %add3A_448 = vector.broadcast %add3A_447 : i32 to vector<16xi32>
        %add3A_449 = arith.addi %add3A_446, %add3A_448 : vector<16xi32>
        %mul3A_450 = arith.mulf %sub3A_395, %mul3A_431 : vector<16xf32>
        tpu.vector_store_idx %arg12[%add3A_161, %add3A_365, %add3A_449], %mul3A_450 : memref<2x128x64xf32, #tpu.memory_space<vmem>>[vector<16xi32>, vector<16xi32>, vector<16xi32>], vector<16xf32>,
        %add3A_451 = arith.constant 48 : i32
        %add3A_452 = vector.broadcast %add3A_451 : i32 to vector<16xi32>
        %add3A_453 = arith.addi %broadcast_in_dim3A_367, %add3A_452 : vector<16xi32>
        %add3A_454 = arith.constant 3 : i32
        %add3A_455 = vector.broadcast %add3A_454 : i32 to vector<16xi32>
        %add3A_456 = arith.addi %add3A_453, %add3A_455 : vector<16xi32>
        %mul3A_457 = arith.mulf %sub3A_396, %mul3A_431 : vector<16xf32>
        tpu.vector_store_idx %arg12[%add3A_161, %add3A_365, %add3A_456], %mul3A_457 : memref<2x128x64xf32, #tpu.memory_space<vmem>>[vector<16xi32>, vector<16xi32>, vector<16xi32>], vector<16xf32>,
        %add3A_458 = arith.constant 48 : i32
        %add3A_459 = vector.broadcast %add3A_458 : i32 to vector<16xi32>
        %add3A_460 = arith.addi %broadcast_in_dim3A_367, %add3A_459 : vector<16xi32>
        %add3A_461 = arith.constant 4 : i32
        %add3A_462 = vector.broadcast %add3A_461 : i32 to vector<16xi32>
        %add3A_463 = arith.addi %add3A_460, %add3A_462 : vector<16xi32>
        %mul3A_464 = arith.mulf %sub3A_397, %mul3A_431 : vector<16xf32>
        tpu.vector_store_idx %arg12[%add3A_161, %add3A_365, %add3A_463], %mul3A_464 : memref<2x128x64xf32, #tpu.memory_space<vmem>>[vector<16xi32>, vector<16xi32>, vector<16xi32>], vector<16xf32>,
        %add3A_465 = arith.constant 48 : i32
        %add3A_466 = vector.broadcast %add3A_465 : i32 to vector<16xi32>
        %add3A_467 = arith.addi %add3A_466, %iota3A : vector<16xi32>
        %broadcast_in_dim3A_468 = arith.constant 0 : i32
        %broadcast_in_dim3A_469 = vector.broadcast %broadcast_in_dim3A_468 : i32 to vector<16xi32>
        %gather3A_470 = tpu.vector_load_idx %arg13[%add3A_467, %broadcast_in_dim3A_469] : memref<128x16xf32, #tpu.memory_space<vmem>>[vector<16xi32>, vector<16xi32>], vector<16xf32>,
        %add3A_471 = arith.constant 1 : i32
        %add3A_472 = vector.broadcast %add3A_471 : i32 to vector<16xi32>
        %add3A_473 = arith.addi %broadcast_in_dim3A_469, %add3A_472 : vector<16xi32>
        %gather3A_474 = tpu.vector_load_idx %arg13[%add3A_467, %add3A_473] : memref<128x16xf32, #tpu.memory_space<vmem>>[vector<16xi32>, vector<16xi32>], vector<16xf32>,
        %add3A_475 = arith.constant 2 : i32
        %add3A_476 = vector.broadcast %add3A_475 : i32 to vector<16xi32>
        %add3A_477 = arith.addi %broadcast_in_dim3A_469, %add3A_476 : vector<16xi32>
        %gather3A_478 = tpu.vector_load_idx %arg13[%add3A_467, %add3A_477] : memref<128x16xf32, #tpu.memory_space<vmem>>[vector<16xi32>, vector<16xi32>], vector<16xf32>,
        %add3A_479 = arith.constant 48 : i32
        %add3A_480 = vector.broadcast %add3A_479 : i32 to vector<16xi32>
        %add3A_481 = arith.addi %broadcast_in_dim3A_469, %add3A_480 : vector<16xi32>
        %gather3A_482 = tpu.vector_load_idx %arg12[%add3A_161, %add3A_467, %add3A_481] : memref<2x128x64xf32, #tpu.memory_space<vmem>>[vector<16xi32>, vector<16xi32>, vector<16xi32>], vector<16xf32>,
        %add3A_483 = arith.constant 48 : i32
        %add3A_484 = vector.broadcast %add3A_483 : i32 to vector<16xi32>
        %add3A_485 = arith.addi %broadcast_in_dim3A_469, %add3A_484 : vector<16xi32>
        %add3A_486 = arith.constant 1 : i32
        %add3A_487 = vector.broadcast %add3A_486 : i32 to vector<16xi32>
        %add3A_488 = arith.addi %add3A_485, %add3A_487 : vector<16xi32>
        %gather3A_489 = tpu.vector_load_idx %arg12[%add3A_161, %add3A_467, %add3A_488] : memref<2x128x64xf32, #tpu.memory_space<vmem>>[vector<16xi32>, vector<16xi32>, vector<16xi32>], vector<16xf32>,
        %add3A_490 = arith.constant 48 : i32
        %add3A_491 = vector.broadcast %add3A_490 : i32 to vector<16xi32>
        %add3A_492 = arith.addi %broadcast_in_dim3A_469, %add3A_491 : vector<16xi32>
        %add3A_493 = arith.constant 2 : i32
        %add3A_494 = vector.broadcast %add3A_493 : i32 to vector<16xi32>
        %add3A_495 = arith.addi %add3A_492, %add3A_494 : vector<16xi32>
        %gather3A_496 = tpu.vector_load_idx %arg12[%add3A_161, %add3A_467, %add3A_495] : memref<2x128x64xf32, #tpu.memory_space<vmem>>[vector<16xi32>, vector<16xi32>, vector<16xi32>], vector<16xf32>,
        %sub3A_497 = arith.subf %gather3A_482, %gather3A_470 : vector<16xf32>
        %sub3A_498 = arith.subf %gather3A_489, %gather3A_474 : vector<16xf32>
        %sub3A_499 = arith.subf %gather3A_496, %gather3A_478 : vector<16xf32>
        %mul3A_500 = arith.mulf %sub3A_497, %sub3A_497 : vector<16xf32>
        %mul3A_501 = arith.mulf %sub3A_498, %sub3A_498 : vector<16xf32>
        %add3A_502 = arith.addf %mul3A_500, %mul3A_501 : vector<16xf32>
        %mul3A_503 = arith.mulf %sub3A_499, %sub3A_499 : vector<16xf32>
        %add3A_504 = arith.addf %add3A_502, %mul3A_503 : vector<16xf32>
        %bitcast3A_505 = vector.bitcast %add3A_504 : vector<16xf32> to vector<16xi32>
        %shift_right_logical3A_506 = arith.constant 1 : i32
        %shift_right_logical3A_507 = vector.broadcast %shift_right_logical3A_506 : i32 to vector<16xi32>
        %shift_right_logical3A_508 = arith.shrui %bitcast3A_505, %shift_right_logical3A_507 : vector<16xi32>
        %sub3A_509 = arith.constant 1597463007 : i32
        %sub3A_510 = vector.broadcast %sub3A_509 : i32 to vector<16xi32>
        %sub3A_511 = arith.subi %sub3A_510, %shift_right_logical3A_508 : vector<16xi32>
        %bitcast3A_512 = vector.bitcast %sub3A_511 : vector<16xi32> to vector<16xf32>
        %mul3A_513 = arith.constant 5.000000e-01 : f32
        %mul3A_514 = vector.broadcast %mul3A_513 : f32 to vector<16xf32>
        %mul3A_515 = arith.mulf %add3A_504, %mul3A_514 : vector<16xf32>
        %mul3A_516 = arith.mulf %mul3A_515, %bitcast3A_512 : vector<16xf32>
        %mul3A_517 = arith.mulf %mul3A_516, %bitcast3A_512 : vector<16xf32>
        %sub3A_518 = arith.constant 1.500000e+00 : f32
        %sub3A_519 = vector.broadcast %sub3A_518 : f32 to vector<16xf32>
        %sub3A_520 = arith.subf %sub3A_519, %mul3A_517 : vector<16xf32>
        %mul3A_521 = arith.mulf %bitcast3A_512, %sub3A_520 : vector<16xf32>
        %mul3A_522 = arith.mulf %mul3A_515, %mul3A_521 : vector<16xf32>
        %mul3A_523 = arith.mulf %mul3A_522, %mul3A_521 : vector<16xf32>
        %sub3A_524 = arith.constant 1.500000e+00 : f32
        %sub3A_525 = vector.broadcast %sub3A_524 : f32 to vector<16xf32>
        %sub3A_526 = arith.subf %sub3A_525, %mul3A_523 : vector<16xf32>
        %mul3A_527 = arith.mulf %mul3A_521, %sub3A_526 : vector<16xf32>
        %mul3A_528 = arith.mulf %mul3A_515, %mul3A_527 : vector<16xf32>
        %mul3A_529 = arith.mulf %mul3A_528, %mul3A_527 : vector<16xf32>
        %sub3A_530 = arith.constant 1.500000e+00 : f32
        %sub3A_531 = vector.broadcast %sub3A_530 : f32 to vector<16xf32>
        %sub3A_532 = arith.subf %sub3A_531, %mul3A_529 : vector<16xf32>
        %mul3A_533 = arith.mulf %mul3A_527, %sub3A_532 : vector<16xf32>
        %broadcast_in_dim3A_534 = arith.constant 1.000000e+00 : f32
        %broadcast_in_dim3A_535 = vector.broadcast %broadcast_in_dim3A_534 : f32 to vector<16xf32>
        %add3A_536 = arith.constant 48 : i32
        %add3A_537 = vector.broadcast %add3A_536 : i32 to vector<16xi32>
        %add3A_538 = arith.addi %broadcast_in_dim3A_469, %add3A_537 : vector<16xi32>
        tpu.vector_store_idx %arg12[%add3A_161, %add3A_467, %add3A_538], %broadcast_in_dim3A_535 : memref<2x128x64xf32, #tpu.memory_space<vmem>>[vector<16xi32>, vector<16xi32>, vector<16xi32>], vector<16xf32>,
        %add3A_539 = arith.constant 48 : i32
        %add3A_540 = vector.broadcast %add3A_539 : i32 to vector<16xi32>
        %add3A_541 = arith.addi %broadcast_in_dim3A_469, %add3A_540 : vector<16xi32>
        %add3A_542 = arith.constant 1 : i32
        %add3A_543 = vector.broadcast %add3A_542 : i32 to vector<16xi32>
        %add3A_544 = arith.addi %add3A_541, %add3A_543 : vector<16xi32>
        %mul3A_545 = arith.mulf %add3A_504, %mul3A_533 : vector<16xf32>
        tpu.vector_store_idx %arg12[%add3A_161, %add3A_467, %add3A_544], %mul3A_545 : memref<2x128x64xf32, #tpu.memory_space<vmem>>[vector<16xi32>, vector<16xi32>, vector<16xi32>], vector<16xf32>,
        %add3A_546 = arith.constant 48 : i32
        %add3A_547 = vector.broadcast %add3A_546 : i32 to vector<16xi32>
        %add3A_548 = arith.addi %broadcast_in_dim3A_469, %add3A_547 : vector<16xi32>
        %add3A_549 = arith.constant 2 : i32
        %add3A_550 = vector.broadcast %add3A_549 : i32 to vector<16xi32>
        %add3A_551 = arith.addi %add3A_548, %add3A_550 : vector<16xi32>
        %mul3A_552 = arith.mulf %sub3A_497, %mul3A_533 : vector<16xf32>
        tpu.vector_store_idx %arg12[%add3A_161, %add3A_467, %add3A_551], %mul3A_552 : memref<2x128x64xf32, #tpu.memory_space<vmem>>[vector<16xi32>, vector<16xi32>, vector<16xi32>], vector<16xf32>,
        %add3A_553 = arith.constant 48 : i32
        %add3A_554 = vector.broadcast %add3A_553 : i32 to vector<16xi32>
        %add3A_555 = arith.addi %broadcast_in_dim3A_469, %add3A_554 : vector<16xi32>
        %add3A_556 = arith.constant 3 : i32
        %add3A_557 = vector.broadcast %add3A_556 : i32 to vector<16xi32>
        %add3A_558 = arith.addi %add3A_555, %add3A_557 : vector<16xi32>
        %mul3A_559 = arith.mulf %sub3A_498, %mul3A_533 : vector<16xf32>
        tpu.vector_store_idx %arg12[%add3A_161, %add3A_467, %add3A_558], %mul3A_559 : memref<2x128x64xf32, #tpu.memory_space<vmem>>[vector<16xi32>, vector<16xi32>, vector<16xi32>], vector<16xf32>,
        %add3A_560 = arith.constant 48 : i32
        %add3A_561 = vector.broadcast %add3A_560 : i32 to vector<16xi32>
        %add3A_562 = arith.addi %broadcast_in_dim3A_469, %add3A_561 : vector<16xi32>
        %add3A_563 = arith.constant 4 : i32
        %add3A_564 = vector.broadcast %add3A_563 : i32 to vector<16xi32>
        %add3A_565 = arith.addi %add3A_562, %add3A_564 : vector<16xi32>
        %mul3A_566 = arith.mulf %sub3A_499, %mul3A_533 : vector<16xf32>
        tpu.vector_store_idx %arg12[%add3A_161, %add3A_467, %add3A_565], %mul3A_566 : memref<2x128x64xf32, #tpu.memory_space<vmem>>[vector<16xi32>, vector<16xi32>, vector<16xi32>], vector<16xf32>,
        %add3A_567 = arith.constant 64 : i32
        %add3A_568 = vector.broadcast %add3A_567 : i32 to vector<16xi32>
        %add3A_569 = arith.addi %add3A_568, %iota3A : vector<16xi32>
        %broadcast_in_dim3A_570 = arith.constant 0 : i32
        %broadcast_in_dim3A_571 = vector.broadcast %broadcast_in_dim3A_570 : i32 to vector<16xi32>
        %gather3A_572 = tpu.vector_load_idx %arg13[%add3A_569, %broadcast_in_dim3A_571] : memref<128x16xf32, #tpu.memory_space<vmem>>[vector<16xi32>, vector<16xi32>], vector<16xf32>,
        %add3A_573 = arith.constant 1 : i32
        %add3A_574 = vector.broadcast %add3A_573 : i32 to vector<16xi32>
        %add3A_575 = arith.addi %broadcast_in_dim3A_571, %add3A_574 : vector<16xi32>
        %gather3A_576 = tpu.vector_load_idx %arg13[%add3A_569, %add3A_575] : memref<128x16xf32, #tpu.memory_space<vmem>>[vector<16xi32>, vector<16xi32>], vector<16xf32>,
        %add3A_577 = arith.constant 2 : i32
        %add3A_578 = vector.broadcast %add3A_577 : i32 to vector<16xi32>
        %add3A_579 = arith.addi %broadcast_in_dim3A_571, %add3A_578 : vector<16xi32>
        %gather3A_580 = tpu.vector_load_idx %arg13[%add3A_569, %add3A_579] : memref<128x16xf32, #tpu.memory_space<vmem>>[vector<16xi32>, vector<16xi32>], vector<16xf32>,
        %add3A_581 = arith.constant 48 : i32
        %add3A_582 = vector.broadcast %add3A_581 : i32 to vector<16xi32>
        %add3A_583 = arith.addi %broadcast_in_dim3A_571, %add3A_582 : vector<16xi32>
        %gather3A_584 = tpu.vector_load_idx %arg12[%add3A_161, %add3A_569, %add3A_583] : memref<2x128x64xf32, #tpu.memory_space<vmem>>[vector<16xi32>, vector<16xi32>, vector<16xi32>], vector<16xf32>,
        %add3A_585 = arith.constant 48 : i32
        %add3A_586 = vector.broadcast %add3A_585 : i32 to vector<16xi32>
        %add3A_587 = arith.addi %broadcast_in_dim3A_571, %add3A_586 : vector<16xi32>
        %add3A_588 = arith.constant 1 : i32
        %add3A_589 = vector.broadcast %add3A_588 : i32 to vector<16xi32>
        %add3A_590 = arith.addi %add3A_587, %add3A_589 : vector<16xi32>
        %gather3A_591 = tpu.vector_load_idx %arg12[%add3A_161, %add3A_569, %add3A_590] : memref<2x128x64xf32, #tpu.memory_space<vmem>>[vector<16xi32>, vector<16xi32>, vector<16xi32>], vector<16xf32>,
        %add3A_592 = arith.constant 48 : i32
        %add3A_593 = vector.broadcast %add3A_592 : i32 to vector<16xi32>
        %add3A_594 = arith.addi %broadcast_in_dim3A_571, %add3A_593 : vector<16xi32>
        %add3A_595 = arith.constant 2 : i32
        %add3A_596 = vector.broadcast %add3A_595 : i32 to vector<16xi32>
        %add3A_597 = arith.addi %add3A_594, %add3A_596 : vector<16xi32>
        %gather3A_598 = tpu.vector_load_idx %arg12[%add3A_161, %add3A_569, %add3A_597] : memref<2x128x64xf32, #tpu.memory_space<vmem>>[vector<16xi32>, vector<16xi32>, vector<16xi32>], vector<16xf32>,
        %sub3A_599 = arith.subf %gather3A_584, %gather3A_572 : vector<16xf32>
        %sub3A_600 = arith.subf %gather3A_591, %gather3A_576 : vector<16xf32>
        %sub3A_601 = arith.subf %gather3A_598, %gather3A_580 : vector<16xf32>
        %mul3A_602 = arith.mulf %sub3A_599, %sub3A_599 : vector<16xf32>
        %mul3A_603 = arith.mulf %sub3A_600, %sub3A_600 : vector<16xf32>
        %add3A_604 = arith.addf %mul3A_602, %mul3A_603 : vector<16xf32>
        %mul3A_605 = arith.mulf %sub3A_601, %sub3A_601 : vector<16xf32>
        %add3A_606 = arith.addf %add3A_604, %mul3A_605 : vector<16xf32>
        %bitcast3A_607 = vector.bitcast %add3A_606 : vector<16xf32> to vector<16xi32>
        %shift_right_logical3A_608 = arith.constant 1 : i32
        %shift_right_logical3A_609 = vector.broadcast %shift_right_logical3A_608 : i32 to vector<16xi32>
        %shift_right_logical3A_610 = arith.shrui %bitcast3A_607, %shift_right_logical3A_609 : vector<16xi32>
        %sub3A_611 = arith.constant 1597463007 : i32
        %sub3A_612 = vector.broadcast %sub3A_611 : i32 to vector<16xi32>
        %sub3A_613 = arith.subi %sub3A_612, %shift_right_logical3A_610 : vector<16xi32>
        %bitcast3A_614 = vector.bitcast %sub3A_613 : vector<16xi32> to vector<16xf32>
        %mul3A_615 = arith.constant 5.000000e-01 : f32
        %mul3A_616 = vector.broadcast %mul3A_615 : f32 to vector<16xf32>
        %mul3A_617 = arith.mulf %add3A_606, %mul3A_616 : vector<16xf32>
        %mul3A_618 = arith.mulf %mul3A_617, %bitcast3A_614 : vector<16xf32>
        %mul3A_619 = arith.mulf %mul3A_618, %bitcast3A_614 : vector<16xf32>
        %sub3A_620 = arith.constant 1.500000e+00 : f32
        %sub3A_621 = vector.broadcast %sub3A_620 : f32 to vector<16xf32>
        %sub3A_622 = arith.subf %sub3A_621, %mul3A_619 : vector<16xf32>
        %mul3A_623 = arith.mulf %bitcast3A_614, %sub3A_622 : vector<16xf32>
        %mul3A_624 = arith.mulf %mul3A_617, %mul3A_623 : vector<16xf32>
        %mul3A_625 = arith.mulf %mul3A_624, %mul3A_623 : vector<16xf32>
        %sub3A_626 = arith.constant 1.500000e+00 : f32
        %sub3A_627 = vector.broadcast %sub3A_626 : f32 to vector<16xf32>
        %sub3A_628 = arith.subf %sub3A_627, %mul3A_625 : vector<16xf32>
        %mul3A_629 = arith.mulf %mul3A_623, %sub3A_628 : vector<16xf32>
        %mul3A_630 = arith.mulf %mul3A_617, %mul3A_629 : vector<16xf32>
        %mul3A_631 = arith.mulf %mul3A_630, %mul3A_629 : vector<16xf32>
        %sub3A_632 = arith.constant 1.500000e+00 : f32
        %sub3A_633 = vector.broadcast %sub3A_632 : f32 to vector<16xf32>
        %sub3A_634 = arith.subf %sub3A_633, %mul3A_631 : vector<16xf32>
        %mul3A_635 = arith.mulf %mul3A_629, %sub3A_634 : vector<16xf32>
        %broadcast_in_dim3A_636 = arith.constant 1.000000e+00 : f32
        %broadcast_in_dim3A_637 = vector.broadcast %broadcast_in_dim3A_636 : f32 to vector<16xf32>
        %add3A_638 = arith.constant 48 : i32
        %add3A_639 = vector.broadcast %add3A_638 : i32 to vector<16xi32>
        %add3A_640 = arith.addi %broadcast_in_dim3A_571, %add3A_639 : vector<16xi32>
        tpu.vector_store_idx %arg12[%add3A_161, %add3A_569, %add3A_640], %broadcast_in_dim3A_637 : memref<2x128x64xf32, #tpu.memory_space<vmem>>[vector<16xi32>, vector<16xi32>, vector<16xi32>], vector<16xf32>,
        %add3A_641 = arith.constant 48 : i32
        %add3A_642 = vector.broadcast %add3A_641 : i32 to vector<16xi32>
        %add3A_643 = arith.addi %broadcast_in_dim3A_571, %add3A_642 : vector<16xi32>
        %add3A_644 = arith.constant 1 : i32
        %add3A_645 = vector.broadcast %add3A_644 : i32 to vector<16xi32>
        %add3A_646 = arith.addi %add3A_643, %add3A_645 : vector<16xi32>
        %mul3A_647 = arith.mulf %add3A_606, %mul3A_635 : vector<16xf32>
        tpu.vector_store_idx %arg12[%add3A_161, %add3A_569, %add3A_646], %mul3A_647 : memref<2x128x64xf32, #tpu.memory_space<vmem>>[vector<16xi32>, vector<16xi32>, vector<16xi32>], vector<16xf32>,
        %add3A_648 = arith.constant 48 : i32
        %add3A_649 = vector.broadcast %add3A_648 : i32 to vector<16xi32>
        %add3A_650 = arith.addi %broadcast_in_dim3A_571, %add3A_649 : vector<16xi32>
        %add3A_651 = arith.constant 2 : i32
        %add3A_652 = vector.broadcast %add3A_651 : i32 to vector<16xi32>
        %add3A_653 = arith.addi %add3A_650, %add3A_652 : vector<16xi32>
        %mul3A_654 = arith.mulf %sub3A_599, %mul3A_635 : vector<16xf32>
        tpu.vector_store_idx %arg12[%add3A_161, %add3A_569, %add3A_653], %mul3A_654 : memref<2x128x64xf32, #tpu.memory_space<vmem>>[vector<16xi32>, vector<16xi32>, vector<16xi32>], vector<16xf32>,
        %add3A_655 = arith.constant 48 : i32
        %add3A_656 = vector.broadcast %add3A_655 : i32 to vector<16xi32>
        %add3A_657 = arith.addi %broadcast_in_dim3A_571, %add3A_656 : vector<16xi32>
        %add3A_658 = arith.constant 3 : i32
        %add3A_659 = vector.broadcast %add3A_658 : i32 to vector<16xi32>
        %add3A_660 = arith.addi %add3A_657, %add3A_659 : vector<16xi32>
        %mul3A_661 = arith.mulf %sub3A_600, %mul3A_635 : vector<16xf32>
        tpu.vector_store_idx %arg12[%add3A_161, %add3A_569, %add3A_660], %mul3A_661 : memref<2x128x64xf32, #tpu.memory_space<vmem>>[vector<16xi32>, vector<16xi32>, vector<16xi32>], vector<16xf32>,
        %add3A_662 = arith.constant 48 : i32
        %add3A_663 = vector.broadcast %add3A_662 : i32 to vector<16xi32>
        %add3A_664 = arith.addi %broadcast_in_dim3A_571, %add3A_663 : vector<16xi32>
        %add3A_665 = arith.constant 4 : i32
        %add3A_666 = vector.broadcast %add3A_665 : i32 to vector<16xi32>
        %add3A_667 = arith.addi %add3A_664, %add3A_666 : vector<16xi32>
        %mul3A_668 = arith.mulf %sub3A_601, %mul3A_635 : vector<16xf32>
        tpu.vector_store_idx %arg12[%add3A_161, %add3A_569, %add3A_667], %mul3A_668 : memref<2x128x64xf32, #tpu.memory_space<vmem>>[vector<16xi32>, vector<16xi32>, vector<16xi32>], vector<16xf32>,
        %add3A_669 = arith.constant 80 : i32
        %add3A_670 = vector.broadcast %add3A_669 : i32 to vector<16xi32>
        %add3A_671 = arith.addi %add3A_670, %iota3A : vector<16xi32>
        %broadcast_in_dim3A_672 = arith.constant 0 : i32
        %broadcast_in_dim3A_673 = vector.broadcast %broadcast_in_dim3A_672 : i32 to vector<16xi32>
        %gather3A_674 = tpu.vector_load_idx %arg13[%add3A_671, %broadcast_in_dim3A_673] : memref<128x16xf32, #tpu.memory_space<vmem>>[vector<16xi32>, vector<16xi32>], vector<16xf32>,
        %add3A_675 = arith.constant 1 : i32
        %add3A_676 = vector.broadcast %add3A_675 : i32 to vector<16xi32>
        %add3A_677 = arith.addi %broadcast_in_dim3A_673, %add3A_676 : vector<16xi32>
        %gather3A_678 = tpu.vector_load_idx %arg13[%add3A_671, %add3A_677] : memref<128x16xf32, #tpu.memory_space<vmem>>[vector<16xi32>, vector<16xi32>], vector<16xf32>,
        %add3A_679 = arith.constant 2 : i32
        %add3A_680 = vector.broadcast %add3A_679 : i32 to vector<16xi32>
        %add3A_681 = arith.addi %broadcast_in_dim3A_673, %add3A_680 : vector<16xi32>
        %gather3A_682 = tpu.vector_load_idx %arg13[%add3A_671, %add3A_681] : memref<128x16xf32, #tpu.memory_space<vmem>>[vector<16xi32>, vector<16xi32>], vector<16xf32>,
        %add3A_683 = arith.constant 48 : i32
        %add3A_684 = vector.broadcast %add3A_683 : i32 to vector<16xi32>
        %add3A_685 = arith.addi %broadcast_in_dim3A_673, %add3A_684 : vector<16xi32>
        %gather3A_686 = tpu.vector_load_idx %arg12[%add3A_161, %add3A_671, %add3A_685] : memref<2x128x64xf32, #tpu.memory_space<vmem>>[vector<16xi32>, vector<16xi32>, vector<16xi32>], vector<16xf32>,
        %add3A_687 = arith.constant 48 : i32
        %add3A_688 = vector.broadcast %add3A_687 : i32 to vector<16xi32>
        %add3A_689 = arith.addi %broadcast_in_dim3A_673, %add3A_688 : vector<16xi32>
        %add3A_690 = arith.constant 1 : i32
        %add3A_691 = vector.broadcast %add3A_690 : i32 to vector<16xi32>
        %add3A_692 = arith.addi %add3A_689, %add3A_691 : vector<16xi32>
        %gather3A_693 = tpu.vector_load_idx %arg12[%add3A_161, %add3A_671, %add3A_692] : memref<2x128x64xf32, #tpu.memory_space<vmem>>[vector<16xi32>, vector<16xi32>, vector<16xi32>], vector<16xf32>,
        %add3A_694 = arith.constant 48 : i32
        %add3A_695 = vector.broadcast %add3A_694 : i32 to vector<16xi32>
        %add3A_696 = arith.addi %broadcast_in_dim3A_673, %add3A_695 : vector<16xi32>
        %add3A_697 = arith.constant 2 : i32
        %add3A_698 = vector.broadcast %add3A_697 : i32 to vector<16xi32>
        %add3A_699 = arith.addi %add3A_696, %add3A_698 : vector<16xi32>
        %gather3A_700 = tpu.vector_load_idx %arg12[%add3A_161, %add3A_671, %add3A_699] : memref<2x128x64xf32, #tpu.memory_space<vmem>>[vector<16xi32>, vector<16xi32>, vector<16xi32>], vector<16xf32>,
        %sub3A_701 = arith.subf %gather3A_686, %gather3A_674 : vector<16xf32>
        %sub3A_702 = arith.subf %gather3A_693, %gather3A_678 : vector<16xf32>
        %sub3A_703 = arith.subf %gather3A_700, %gather3A_682 : vector<16xf32>
        %mul3A_704 = arith.mulf %sub3A_701, %sub3A_701 : vector<16xf32>
        %mul3A_705 = arith.mulf %sub3A_702, %sub3A_702 : vector<16xf32>
        %add3A_706 = arith.addf %mul3A_704, %mul3A_705 : vector<16xf32>
        %mul3A_707 = arith.mulf %sub3A_703, %sub3A_703 : vector<16xf32>
        %add3A_708 = arith.addf %add3A_706, %mul3A_707 : vector<16xf32>
        %bitcast3A_709 = vector.bitcast %add3A_708 : vector<16xf32> to vector<16xi32>
        %shift_right_logical3A_710 = arith.constant 1 : i32
        %shift_right_logical3A_711 = vector.broadcast %shift_right_logical3A_710 : i32 to vector<16xi32>
        %shift_right_logical3A_712 = arith.shrui %bitcast3A_709, %shift_right_logical3A_711 : vector<16xi32>
        %sub3A_713 = arith.constant 1597463007 : i32
        %sub3A_714 = vector.broadcast %sub3A_713 : i32 to vector<16xi32>
        %sub3A_715 = arith.subi %sub3A_714, %shift_right_logical3A_712 : vector<16xi32>
        %bitcast3A_716 = vector.bitcast %sub3A_715 : vector<16xi32> to vector<16xf32>
        %mul3A_717 = arith.constant 5.000000e-01 : f32
        %mul3A_718 = vector.broadcast %mul3A_717 : f32 to vector<16xf32>
        %mul3A_719 = arith.mulf %add3A_708, %mul3A_718 : vector<16xf32>
        %mul3A_720 = arith.mulf %mul3A_719, %bitcast3A_716 : vector<16xf32>
        %mul3A_721 = arith.mulf %mul3A_720, %bitcast3A_716 : vector<16xf32>
        %sub3A_722 = arith.constant 1.500000e+00 : f32
        %sub3A_723 = vector.broadcast %sub3A_722 : f32 to vector<16xf32>
        %sub3A_724 = arith.subf %sub3A_723, %mul3A_721 : vector<16xf32>
        %mul3A_725 = arith.mulf %bitcast3A_716, %sub3A_724 : vector<16xf32>
        %mul3A_726 = arith.mulf %mul3A_719, %mul3A_725 : vector<16xf32>
        %mul3A_727 = arith.mulf %mul3A_726, %mul3A_725 : vector<16xf32>
        %sub3A_728 = arith.constant 1.500000e+00 : f32
        %sub3A_729 = vector.broadcast %sub3A_728 : f32 to vector<16xf32>
        %sub3A_730 = arith.subf %sub3A_729, %mul3A_727 : vector<16xf32>
        %mul3A_731 = arith.mulf %mul3A_725, %sub3A_730 : vector<16xf32>
        %mul3A_732 = arith.mulf %mul3A_719, %mul3A_731 : vector<16xf32>
        %mul3A_733 = arith.mulf %mul3A_732, %mul3A_731 : vector<16xf32>
        %sub3A_734 = arith.constant 1.500000e+00 : f32
        %sub3A_735 = vector.broadcast %sub3A_734 : f32 to vector<16xf32>
        %sub3A_736 = arith.subf %sub3A_735, %mul3A_733 : vector<16xf32>
        %mul3A_737 = arith.mulf %mul3A_731, %sub3A_736 : vector<16xf32>
        %broadcast_in_dim3A_738 = arith.constant 1.000000e+00 : f32
        %broadcast_in_dim3A_739 = vector.broadcast %broadcast_in_dim3A_738 : f32 to vector<16xf32>
        %add3A_740 = arith.constant 48 : i32
        %add3A_741 = vector.broadcast %add3A_740 : i32 to vector<16xi32>
        %add3A_742 = arith.addi %broadcast_in_dim3A_673, %add3A_741 : vector<16xi32>
        tpu.vector_store_idx %arg12[%add3A_161, %add3A_671, %add3A_742], %broadcast_in_dim3A_739 : memref<2x128x64xf32, #tpu.memory_space<vmem>>[vector<16xi32>, vector<16xi32>, vector<16xi32>], vector<16xf32>,
        %add3A_743 = arith.constant 48 : i32
        %add3A_744 = vector.broadcast %add3A_743 : i32 to vector<16xi32>
        %add3A_745 = arith.addi %broadcast_in_dim3A_673, %add3A_744 : vector<16xi32>
        %add3A_746 = arith.constant 1 : i32
        %add3A_747 = vector.broadcast %add3A_746 : i32 to vector<16xi32>
        %add3A_748 = arith.addi %add3A_745, %add3A_747 : vector<16xi32>
        %mul3A_749 = arith.mulf %add3A_708, %mul3A_737 : vector<16xf32>
        tpu.vector_store_idx %arg12[%add3A_161, %add3A_671, %add3A_748], %mul3A_749 : memref<2x128x64xf32, #tpu.memory_space<vmem>>[vector<16xi32>, vector<16xi32>, vector<16xi32>], vector<16xf32>,
        %add3A_750 = arith.constant 48 : i32
        %add3A_751 = vector.broadcast %add3A_750 : i32 to vector<16xi32>
        %add3A_752 = arith.addi %broadcast_in_dim3A_673, %add3A_751 : vector<16xi32>
        %add3A_753 = arith.constant 2 : i32
        %add3A_754 = vector.broadcast %add3A_753 : i32 to vector<16xi32>
        %add3A_755 = arith.addi %add3A_752, %add3A_754 : vector<16xi32>
        %mul3A_756 = arith.mulf %sub3A_701, %mul3A_737 : vector<16xf32>
        tpu.vector_store_idx %arg12[%add3A_161, %add3A_671, %add3A_755], %mul3A_756 : memref<2x128x64xf32, #tpu.memory_space<vmem>>[vector<16xi32>, vector<16xi32>, vector<16xi32>], vector<16xf32>,
        %add3A_757 = arith.constant 48 : i32
        %add3A_758 = vector.broadcast %add3A_757 : i32 to vector<16xi32>
        %add3A_759 = arith.addi %broadcast_in_dim3A_673, %add3A_758 : vector<16xi32>
        %add3A_760 = arith.constant 3 : i32
        %add3A_761 = vector.broadcast %add3A_760 : i32 to vector<16xi32>
        %add3A_762 = arith.addi %add3A_759, %add3A_761 : vector<16xi32>
        %mul3A_763 = arith.mulf %sub3A_702, %mul3A_737 : vector<16xf32>
        tpu.vector_store_idx %arg12[%add3A_161, %add3A_671, %add3A_762], %mul3A_763 : memref<2x128x64xf32, #tpu.memory_space<vmem>>[vector<16xi32>, vector<16xi32>, vector<16xi32>], vector<16xf32>,
        %add3A_764 = arith.constant 48 : i32
        %add3A_765 = vector.broadcast %add3A_764 : i32 to vector<16xi32>
        %add3A_766 = arith.addi %broadcast_in_dim3A_673, %add3A_765 : vector<16xi32>
        %add3A_767 = arith.constant 4 : i32
        %add3A_768 = vector.broadcast %add3A_767 : i32 to vector<16xi32>
        %add3A_769 = arith.addi %add3A_766, %add3A_768 : vector<16xi32>
        %mul3A_770 = arith.mulf %sub3A_703, %mul3A_737 : vector<16xf32>
        tpu.vector_store_idx %arg12[%add3A_161, %add3A_671, %add3A_769], %mul3A_770 : memref<2x128x64xf32, #tpu.memory_space<vmem>>[vector<16xi32>, vector<16xi32>, vector<16xi32>], vector<16xf32>,
        %add3A_771 = arith.constant 96 : i32
        %add3A_772 = vector.broadcast %add3A_771 : i32 to vector<16xi32>
        %add3A_773 = arith.addi %add3A_772, %iota3A : vector<16xi32>
        %broadcast_in_dim3A_774 = arith.constant 0 : i32
        %broadcast_in_dim3A_775 = vector.broadcast %broadcast_in_dim3A_774 : i32 to vector<16xi32>
        %gather3A_776 = tpu.vector_load_idx %arg13[%add3A_773, %broadcast_in_dim3A_775] : memref<128x16xf32, #tpu.memory_space<vmem>>[vector<16xi32>, vector<16xi32>], vector<16xf32>,
        %add3A_777 = arith.constant 1 : i32
        %add3A_778 = vector.broadcast %add3A_777 : i32 to vector<16xi32>
        %add3A_779 = arith.addi %broadcast_in_dim3A_775, %add3A_778 : vector<16xi32>
        %gather3A_780 = tpu.vector_load_idx %arg13[%add3A_773, %add3A_779] : memref<128x16xf32, #tpu.memory_space<vmem>>[vector<16xi32>, vector<16xi32>], vector<16xf32>,
        %add3A_781 = arith.constant 2 : i32
        %add3A_782 = vector.broadcast %add3A_781 : i32 to vector<16xi32>
        %add3A_783 = arith.addi %broadcast_in_dim3A_775, %add3A_782 : vector<16xi32>
        %gather3A_784 = tpu.vector_load_idx %arg13[%add3A_773, %add3A_783] : memref<128x16xf32, #tpu.memory_space<vmem>>[vector<16xi32>, vector<16xi32>], vector<16xf32>,
        %add3A_785 = arith.constant 48 : i32
        %add3A_786 = vector.broadcast %add3A_785 : i32 to vector<16xi32>
        %add3A_787 = arith.addi %broadcast_in_dim3A_775, %add3A_786 : vector<16xi32>
        %gather3A_788 = tpu.vector_load_idx %arg12[%add3A_161, %add3A_773, %add3A_787] : memref<2x128x64xf32, #tpu.memory_space<vmem>>[vector<16xi32>, vector<16xi32>, vector<16xi32>], vector<16xf32>,
        %add3A_789 = arith.constant 48 : i32
        %add3A_790 = vector.broadcast %add3A_789 : i32 to vector<16xi32>
        %add3A_791 = arith.addi %broadcast_in_dim3A_775, %add3A_790 : vector<16xi32>
        %add3A_792 = arith.constant 1 : i32
        %add3A_793 = vector.broadcast %add3A_792 : i32 to vector<16xi32>
        %add3A_794 = arith.addi %add3A_791, %add3A_793 : vector<16xi32>
        %gather3A_795 = tpu.vector_load_idx %arg12[%add3A_161, %add3A_773, %add3A_794] : memref<2x128x64xf32, #tpu.memory_space<vmem>>[vector<16xi32>, vector<16xi32>, vector<16xi32>], vector<16xf32>,
        %add3A_796 = arith.constant 48 : i32
        %add3A_797 = vector.broadcast %add3A_796 : i32 to vector<16xi32>
        %add3A_798 = arith.addi %broadcast_in_dim3A_775, %add3A_797 : vector<16xi32>
        %add3A_799 = arith.constant 2 : i32
        %add3A_800 = vector.broadcast %add3A_799 : i32 to vector<16xi32>
        %add3A_801 = arith.addi %add3A_798, %add3A_800 : vector<16xi32>
        %gather3A_802 = tpu.vector_load_idx %arg12[%add3A_161, %add3A_773, %add3A_801] : memref<2x128x64xf32, #tpu.memory_space<vmem>>[vector<16xi32>, vector<16xi32>, vector<16xi32>], vector<16xf32>,
        %sub3A_803 = arith.subf %gather3A_788, %gather3A_776 : vector<16xf32>
        %sub3A_804 = arith.subf %gather3A_795, %gather3A_780 : vector<16xf32>
        %sub3A_805 = arith.subf %gather3A_802, %gather3A_784 : vector<16xf32>
        %mul3A_806 = arith.mulf %sub3A_803, %sub3A_803 : vector<16xf32>
        %mul3A_807 = arith.mulf %sub3A_804, %sub3A_804 : vector<16xf32>
        %add3A_808 = arith.addf %mul3A_806, %mul3A_807 : vector<16xf32>
        %mul3A_809 = arith.mulf %sub3A_805, %sub3A_805 : vector<16xf32>
        %add3A_810 = arith.addf %add3A_808, %mul3A_809 : vector<16xf32>
        %bitcast3A_811 = vector.bitcast %add3A_810 : vector<16xf32> to vector<16xi32>
        %shift_right_logical3A_812 = arith.constant 1 : i32
        %shift_right_logical3A_813 = vector.broadcast %shift_right_logical3A_812 : i32 to vector<16xi32>
        %shift_right_logical3A_814 = arith.shrui %bitcast3A_811, %shift_right_logical3A_813 : vector<16xi32>
        %sub3A_815 = arith.constant 1597463007 : i32
        %sub3A_816 = vector.broadcast %sub3A_815 : i32 to vector<16xi32>
        %sub3A_817 = arith.subi %sub3A_816, %shift_right_logical3A_814 : vector<16xi32>
        %bitcast3A_818 = vector.bitcast %sub3A_817 : vector<16xi32> to vector<16xf32>
        %mul3A_819 = arith.constant 5.000000e-01 : f32
        %mul3A_820 = vector.broadcast %mul3A_819 : f32 to vector<16xf32>
        %mul3A_821 = arith.mulf %add3A_810, %mul3A_820 : vector<16xf32>
        %mul3A_822 = arith.mulf %mul3A_821, %bitcast3A_818 : vector<16xf32>
        %mul3A_823 = arith.mulf %mul3A_822, %bitcast3A_818 : vector<16xf32>
        %sub3A_824 = arith.constant 1.500000e+00 : f32
        %sub3A_825 = vector.broadcast %sub3A_824 : f32 to vector<16xf32>
        %sub3A_826 = arith.subf %sub3A_825, %mul3A_823 : vector<16xf32>
        %mul3A_827 = arith.mulf %bitcast3A_818, %sub3A_826 : vector<16xf32>
        %mul3A_828 = arith.mulf %mul3A_821, %mul3A_827 : vector<16xf32>
        %mul3A_829 = arith.mulf %mul3A_828, %mul3A_827 : vector<16xf32>
        %sub3A_830 = arith.constant 1.500000e+00 : f32
        %sub3A_831 = vector.broadcast %sub3A_830 : f32 to vector<16xf32>
        %sub3A_832 = arith.subf %sub3A_831, %mul3A_829 : vector<16xf32>
        %mul3A_833 = arith.mulf %mul3A_827, %sub3A_832 : vector<16xf32>
        %mul3A_834 = arith.mulf %mul3A_821, %mul3A_833 : vector<16xf32>
        %mul3A_835 = arith.mulf %mul3A_834, %mul3A_833 : vector<16xf32>
        %sub3A_836 = arith.constant 1.500000e+00 : f32
        %sub3A_837 = vector.broadcast %sub3A_836 : f32 to vector<16xf32>
        %sub3A_838 = arith.subf %sub3A_837, %mul3A_835 : vector<16xf32>
        %mul3A_839 = arith.mulf %mul3A_833, %sub3A_838 : vector<16xf32>
        %broadcast_in_dim3A_840 = arith.constant 1.000000e+00 : f32
        %broadcast_in_dim3A_841 = vector.broadcast %broadcast_in_dim3A_840 : f32 to vector<16xf32>
        %add3A_842 = arith.constant 48 : i32
        %add3A_843 = vector.broadcast %add3A_842 : i32 to vector<16xi32>
        %add3A_844 = arith.addi %broadcast_in_dim3A_775, %add3A_843 : vector<16xi32>
        tpu.vector_store_idx %arg12[%add3A_161, %add3A_773, %add3A_844], %broadcast_in_dim3A_841 : memref<2x128x64xf32, #tpu.memory_space<vmem>>[vector<16xi32>, vector<16xi32>, vector<16xi32>], vector<16xf32>,
        %add3A_845 = arith.constant 48 : i32
        %add3A_846 = vector.broadcast %add3A_845 : i32 to vector<16xi32>
        %add3A_847 = arith.addi %broadcast_in_dim3A_775, %add3A_846 : vector<16xi32>
        %add3A_848 = arith.constant 1 : i32
        %add3A_849 = vector.broadcast %add3A_848 : i32 to vector<16xi32>
        %add3A_850 = arith.addi %add3A_847, %add3A_849 : vector<16xi32>
        %mul3A_851 = arith.mulf %add3A_810, %mul3A_839 : vector<16xf32>
        tpu.vector_store_idx %arg12[%add3A_161, %add3A_773, %add3A_850], %mul3A_851 : memref<2x128x64xf32, #tpu.memory_space<vmem>>[vector<16xi32>, vector<16xi32>, vector<16xi32>], vector<16xf32>,
        %add3A_852 = arith.constant 48 : i32
        %add3A_853 = vector.broadcast %add3A_852 : i32 to vector<16xi32>
        %add3A_854 = arith.addi %broadcast_in_dim3A_775, %add3A_853 : vector<16xi32>
        %add3A_855 = arith.constant 2 : i32
        %add3A_856 = vector.broadcast %add3A_855 : i32 to vector<16xi32>
        %add3A_857 = arith.addi %add3A_854, %add3A_856 : vector<16xi32>
        %mul3A_858 = arith.mulf %sub3A_803, %mul3A_839 : vector<16xf32>
        tpu.vector_store_idx %arg12[%add3A_161, %add3A_773, %add3A_857], %mul3A_858 : memref<2x128x64xf32, #tpu.memory_space<vmem>>[vector<16xi32>, vector<16xi32>, vector<16xi32>], vector<16xf32>,
        %add3A_859 = arith.constant 48 : i32
        %add3A_860 = vector.broadcast %add3A_859 : i32 to vector<16xi32>
        %add3A_861 = arith.addi %broadcast_in_dim3A_775, %add3A_860 : vector<16xi32>
        %add3A_862 = arith.constant 3 : i32
        %add3A_863 = vector.broadcast %add3A_862 : i32 to vector<16xi32>
        %add3A_864 = arith.addi %add3A_861, %add3A_863 : vector<16xi32>
        %mul3A_865 = arith.mulf %sub3A_804, %mul3A_839 : vector<16xf32>
        tpu.vector_store_idx %arg12[%add3A_161, %add3A_773, %add3A_864], %mul3A_865 : memref<2x128x64xf32, #tpu.memory_space<vmem>>[vector<16xi32>, vector<16xi32>, vector<16xi32>], vector<16xf32>,
        %add3A_866 = arith.constant 48 : i32
        %add3A_867 = vector.broadcast %add3A_866 : i32 to vector<16xi32>
        %add3A_868 = arith.addi %broadcast_in_dim3A_775, %add3A_867 : vector<16xi32>
        %add3A_869 = arith.constant 4 : i32
        %add3A_870 = vector.broadcast %add3A_869 : i32 to vector<16xi32>
        %add3A_871 = arith.addi %add3A_868, %add3A_870 : vector<16xi32>
        %mul3A_872 = arith.mulf %sub3A_805, %mul3A_839 : vector<16xf32>
        tpu.vector_store_idx %arg12[%add3A_161, %add3A_773, %add3A_871], %mul3A_872 : memref<2x128x64xf32, #tpu.memory_space<vmem>>[vector<16xi32>, vector<16xi32>, vector<16xi32>], vector<16xf32>,
        %add3A_873 = arith.constant 112 : i32
        %add3A_874 = vector.broadcast %add3A_873 : i32 to vector<16xi32>
        %add3A_875 = arith.addi %add3A_874, %iota3A : vector<16xi32>
        %broadcast_in_dim3A_876 = arith.constant 0 : i32
        %broadcast_in_dim3A_877 = vector.broadcast %broadcast_in_dim3A_876 : i32 to vector<16xi32>
        %gather3A_878 = tpu.vector_load_idx %arg13[%add3A_875, %broadcast_in_dim3A_877] : memref<128x16xf32, #tpu.memory_space<vmem>>[vector<16xi32>, vector<16xi32>], vector<16xf32>,
        %add3A_879 = arith.constant 1 : i32
        %add3A_880 = vector.broadcast %add3A_879 : i32 to vector<16xi32>
        %add3A_881 = arith.addi %broadcast_in_dim3A_877, %add3A_880 : vector<16xi32>
        %gather3A_882 = tpu.vector_load_idx %arg13[%add3A_875, %add3A_881] : memref<128x16xf32, #tpu.memory_space<vmem>>[vector<16xi32>, vector<16xi32>], vector<16xf32>,
        %add3A_883 = arith.constant 2 : i32
        %add3A_884 = vector.broadcast %add3A_883 : i32 to vector<16xi32>
        %add3A_885 = arith.addi %broadcast_in_dim3A_877, %add3A_884 : vector<16xi32>
        %gather3A_886 = tpu.vector_load_idx %arg13[%add3A_875, %add3A_885] : memref<128x16xf32, #tpu.memory_space<vmem>>[vector<16xi32>, vector<16xi32>], vector<16xf32>,
        %add3A_887 = arith.constant 48 : i32
        %add3A_888 = vector.broadcast %add3A_887 : i32 to vector<16xi32>
        %add3A_889 = arith.addi %broadcast_in_dim3A_877, %add3A_888 : vector<16xi32>
        %gather3A_890 = tpu.vector_load_idx %arg12[%add3A_161, %add3A_875, %add3A_889] : memref<2x128x64xf32, #tpu.memory_space<vmem>>[vector<16xi32>, vector<16xi32>, vector<16xi32>], vector<16xf32>,
        %add3A_891 = arith.constant 48 : i32
        %add3A_892 = vector.broadcast %add3A_891 : i32 to vector<16xi32>
        %add3A_893 = arith.addi %broadcast_in_dim3A_877, %add3A_892 : vector<16xi32>
        %add3A_894 = arith.constant 1 : i32
        %add3A_895 = vector.broadcast %add3A_894 : i32 to vector<16xi32>
        %add3A_896 = arith.addi %add3A_893, %add3A_895 : vector<16xi32>
        %gather3A_897 = tpu.vector_load_idx %arg12[%add3A_161, %add3A_875, %add3A_896] : memref<2x128x64xf32, #tpu.memory_space<vmem>>[vector<16xi32>, vector<16xi32>, vector<16xi32>], vector<16xf32>,
        %add3A_898 = arith.constant 48 : i32
        %add3A_899 = vector.broadcast %add3A_898 : i32 to vector<16xi32>
        %add3A_900 = arith.addi %broadcast_in_dim3A_877, %add3A_899 : vector<16xi32>
        %add3A_901 = arith.constant 2 : i32
        %add3A_902 = vector.broadcast %add3A_901 : i32 to vector<16xi32>
        %add3A_903 = arith.addi %add3A_900, %add3A_902 : vector<16xi32>
        %gather3A_904 = tpu.vector_load_idx %arg12[%add3A_161, %add3A_875, %add3A_903] : memref<2x128x64xf32, #tpu.memory_space<vmem>>[vector<16xi32>, vector<16xi32>, vector<16xi32>], vector<16xf32>,
        %sub3A_905 = arith.subf %gather3A_890, %gather3A_878 : vector<16xf32>
        %sub3A_906 = arith.subf %gather3A_897, %gather3A_882 : vector<16xf32>
        %sub3A_907 = arith.subf %gather3A_904, %gather3A_886 : vector<16xf32>
        %mul3A_908 = arith.mulf %sub3A_905, %sub3A_905 : vector<16xf32>
        %mul3A_909 = arith.mulf %sub3A_906, %sub3A_906 : vector<16xf32>
        %add3A_910 = arith.addf %mul3A_908, %mul3A_909 : vector<16xf32>
        %mul3A_911 = arith.mulf %sub3A_907, %sub3A_907 : vector<16xf32>
        %add3A_912 = arith.addf %add3A_910, %mul3A_911 : vector<16xf32>
        %bitcast3A_913 = vector.bitcast %add3A_912 : vector<16xf32> to vector<16xi32>
        %shift_right_logical3A_914 = arith.constant 1 : i32
        %shift_right_logical3A_915 = vector.broadcast %shift_right_logical3A_914 : i32 to vector<16xi32>
        %shift_right_logical3A_916 = arith.shrui %bitcast3A_913, %shift_right_logical3A_915 : vector<16xi32>
        %sub3A_917 = arith.constant 1597463007 : i32
        %sub3A_918 = vector.broadcast %sub3A_917 : i32 to vector<16xi32>
        %sub3A_919 = arith.subi %sub3A_918, %shift_right_logical3A_916 : vector<16xi32>
        %bitcast3A_920 = vector.bitcast %sub3A_919 : vector<16xi32> to vector<16xf32>
        %mul3A_921 = arith.constant 5.000000e-01 : f32
        %mul3A_922 = vector.broadcast %mul3A_921 : f32 to vector<16xf32>
        %mul3A_923 = arith.mulf %add3A_912, %mul3A_922 : vector<16xf32>
        %mul3A_924 = arith.mulf %mul3A_923, %bitcast3A_920 : vector<16xf32>
        %mul3A_925 = arith.mulf %mul3A_924, %bitcast3A_920 : vector<16xf32>
        %sub3A_926 = arith.constant 1.500000e+00 : f32
        %sub3A_927 = vector.broadcast %sub3A_926 : f32 to vector<16xf32>
        %sub3A_928 = arith.subf %sub3A_927, %mul3A_925 : vector<16xf32>
        %mul3A_929 = arith.mulf %bitcast3A_920, %sub3A_928 : vector<16xf32>
        %mul3A_930 = arith.mulf %mul3A_923, %mul3A_929 : vector<16xf32>
        %mul3A_931 = arith.mulf %mul3A_930, %mul3A_929 : vector<16xf32>
        %sub3A_932 = arith.constant 1.500000e+00 : f32
        %sub3A_933 = vector.broadcast %sub3A_932 : f32 to vector<16xf32>
        %sub3A_934 = arith.subf %sub3A_933, %mul3A_931 : vector<16xf32>
        %mul3A_935 = arith.mulf %mul3A_929, %sub3A_934 : vector<16xf32>
        %mul3A_936 = arith.mulf %mul3A_923, %mul3A_935 : vector<16xf32>
        %mul3A_937 = arith.mulf %mul3A_936, %mul3A_935 : vector<16xf32>
        %sub3A_938 = arith.constant 1.500000e+00 : f32
        %sub3A_939 = vector.broadcast %sub3A_938 : f32 to vector<16xf32>
        %sub3A_940 = arith.subf %sub3A_939, %mul3A_937 : vector<16xf32>
        %mul3A_941 = arith.mulf %mul3A_935, %sub3A_940 : vector<16xf32>
        %broadcast_in_dim3A_942 = arith.constant 1.000000e+00 : f32
        %broadcast_in_dim3A_943 = vector.broadcast %broadcast_in_dim3A_942 : f32 to vector<16xf32>
        %add3A_944 = arith.constant 48 : i32
        %add3A_945 = vector.broadcast %add3A_944 : i32 to vector<16xi32>
        %add3A_946 = arith.addi %broadcast_in_dim3A_877, %add3A_945 : vector<16xi32>
        tpu.vector_store_idx %arg12[%add3A_161, %add3A_875, %add3A_946], %broadcast_in_dim3A_943 : memref<2x128x64xf32, #tpu.memory_space<vmem>>[vector<16xi32>, vector<16xi32>, vector<16xi32>], vector<16xf32>,
        %add3A_947 = arith.constant 48 : i32
        %add3A_948 = vector.broadcast %add3A_947 : i32 to vector<16xi32>
        %add3A_949 = arith.addi %broadcast_in_dim3A_877, %add3A_948 : vector<16xi32>
        %add3A_950 = arith.constant 1 : i32
        %add3A_951 = vector.broadcast %add3A_950 : i32 to vector<16xi32>
        %add3A_952 = arith.addi %add3A_949, %add3A_951 : vector<16xi32>
        %mul3A_953 = arith.mulf %add3A_912, %mul3A_941 : vector<16xf32>
        tpu.vector_store_idx %arg12[%add3A_161, %add3A_875, %add3A_952], %mul3A_953 : memref<2x128x64xf32, #tpu.memory_space<vmem>>[vector<16xi32>, vector<16xi32>, vector<16xi32>], vector<16xf32>,
        %add3A_954 = arith.constant 48 : i32
        %add3A_955 = vector.broadcast %add3A_954 : i32 to vector<16xi32>
        %add3A_956 = arith.addi %broadcast_in_dim3A_877, %add3A_955 : vector<16xi32>
        %add3A_957 = arith.constant 2 : i32
        %add3A_958 = vector.broadcast %add3A_957 : i32 to vector<16xi32>
        %add3A_959 = arith.addi %add3A_956, %add3A_958 : vector<16xi32>
        %mul3A_960 = arith.mulf %sub3A_905, %mul3A_941 : vector<16xf32>
        tpu.vector_store_idx %arg12[%add3A_161, %add3A_875, %add3A_959], %mul3A_960 : memref<2x128x64xf32, #tpu.memory_space<vmem>>[vector<16xi32>, vector<16xi32>, vector<16xi32>], vector<16xf32>,
        %add3A_961 = arith.constant 48 : i32
        %add3A_962 = vector.broadcast %add3A_961 : i32 to vector<16xi32>
        %add3A_963 = arith.addi %broadcast_in_dim3A_877, %add3A_962 : vector<16xi32>
        %add3A_964 = arith.constant 3 : i32
        %add3A_965 = vector.broadcast %add3A_964 : i32 to vector<16xi32>
        %add3A_966 = arith.addi %add3A_963, %add3A_965 : vector<16xi32>
        %mul3A_967 = arith.mulf %sub3A_906, %mul3A_941 : vector<16xf32>
        tpu.vector_store_idx %arg12[%add3A_161, %add3A_875, %add3A_966], %mul3A_967 : memref<2x128x64xf32, #tpu.memory_space<vmem>>[vector<16xi32>, vector<16xi32>, vector<16xi32>], vector<16xf32>,
        %add3A_968 = arith.constant 48 : i32
        %add3A_969 = vector.broadcast %add3A_968 : i32 to vector<16xi32>
        %add3A_970 = arith.addi %broadcast_in_dim3A_877, %add3A_969 : vector<16xi32>
        %add3A_971 = arith.constant 4 : i32
        %add3A_972 = vector.broadcast %add3A_971 : i32 to vector<16xi32>
        %add3A_973 = arith.addi %add3A_970, %add3A_972 : vector<16xi32>
        %mul3A_974 = arith.mulf %sub3A_907, %mul3A_941 : vector<16xf32>
        tpu.vector_store_idx %arg12[%add3A_161, %add3A_875, %add3A_973], %mul3A_974 : memref<2x128x64xf32, #tpu.memory_space<vmem>>[vector<16xi32>, vector<16xi32>, vector<16xi32>], vector<16xf32>,
      } else {
      }
      %lt3A_144 = arith.constant 156 : i32
      %lt3A_145 = arith.cmpi slt, %scan3A_103, %lt3A_144 : i32
      %convert_element_type3A_146 = arith.extui %lt3A_145 : i1 to i32
      %cond3A_147 = arith.constant 0 : i32
      %cond3A_148 = arith.cmpi ne, %convert_element_type3A_146, %cond3A_147 : i32
      scf.if %cond3A_148 {
        %eq3A_159 = arith.constant 1 : i32
        %eq3A_160 = arith.cmpi eq, %arg0, %eq3A_159 : i32
        %convert_element_type3A_161 = arith.extui %eq3A_160 : i1 to i32
        %cond3A_162 = arith.constant 0 : i32
        %cond3A_163 = arith.cmpi ne, %convert_element_type3A_161, %cond3A_162 : i32
        scf.if %cond3A_163 {
          %dma_start3A_164 = arith.constant 0 : i32
          %dma_start3A_165 = arith.constant 0 : i32
          %dma_start3A_166 = tpu.memref_slice %arg10[%rem3A_111, %dma_start3A_164, %dma_start3A_165] : memref<3x2x128xi32, #tpu.memory_space<vmem>> -> memref<1x1x128xi32, #tpu.memory_space<vmem>>
          %dma_start3A_167 = tpu.memref_squeeze %dma_start3A_166 : memref<1x1x128xi32, #tpu.memory_space<vmem>> -> memref<128xi32, #tpu.memory_space<vmem>>
          %dma_start3A_168 = arith.constant 0 : i32
          %dma_start3A_169 = arith.constant 0 : i32
          %dma_start3A_170 = tpu.memref_slice %arg5[%dma_start3A_168, %dma_start3A_169] : memref<10112x16xf32, #tpu.memory_space<hbm>> -> memref<10112x16xf32, #tpu.memory_space<hbm>>
          tpu.enqueue_indirect_dma source(%dma_start3A_170 : memref<10112x16xf32, #tpu.memory_space<hbm>>) target(%arg13 : memref<128x16xf32, #tpu.memory_space<vmem>>) offsets(%dma_start3A_167 : memref<128xi32, #tpu.memory_space<vmem>>) semaphore(%arg17 : memref<!tpu.dma_semaphore, #tpu.memory_space<semaphore_mem>>)
        } else {
        }
      } else {
      }
      %eq3A_149 = arith.constant 0 : i32
      %eq3A_150 = arith.cmpi eq, %arg0, %eq3A_149 : i32
      %convert_element_type3A_151 = arith.extui %eq3A_150 : i1 to i32
      %cond3A_152 = arith.constant 0 : i32
      %cond3A_153 = arith.cmpi ne, %convert_element_type3A_151, %cond3A_152 : i32
      scf.if %cond3A_153 {
        %dma_start3A_159 = arith.constant 0 : i32
        %dma_start3A_160 = arith.constant 0 : i32
        %dma_start3A_161 = arith.constant 0 : i32
        %dma_start3A_162 = tpu.memref_slice %arg11[%rem3A_104, %dma_start3A_160, %dma_start3A_161] : memref<2x128x80xf32, #tpu.memory_space<vmem>> -> memref<1x128x80xf32, #tpu.memory_space<vmem>>
        %dma_start3A_163 = tpu.memref_squeeze %dma_start3A_162 : memref<1x128x80xf32, #tpu.memory_space<vmem>> -> memref<128x80xf32, #tpu.memory_space<vmem>>
        %dma_start3A_164 = arith.constant 0 : i32
        %dma_start3A_165 = tpu.memref_slice %arg10[%rem3A_107, %dma_start3A_159, %dma_start3A_164] : memref<3x2x128xi32, #tpu.memory_space<vmem>> -> memref<1x1x128xi32, #tpu.memory_space<vmem>>
        %dma_start3A_166 = tpu.memref_squeeze %dma_start3A_165 : memref<1x1x128xi32, #tpu.memory_space<vmem>> -> memref<128xi32, #tpu.memory_space<vmem>>
        %dma_start3A_167 = arith.constant 0 : i32
        %dma_start3A_168 = arith.constant 0 : i32
        %dma_start3A_169 = tpu.memref_slice %arg14[%dma_start3A_167, %dma_start3A_168] : memref<10112x80xf32, #tpu.memory_space<vmem_shared>> -> memref<10112x80xf32, #tpu.memory_space<vmem_shared>>
        tpu.enqueue_indirect_dma source(%dma_start3A_163 : memref<128x80xf32, #tpu.memory_space<vmem>>) target(%dma_start3A_169 : memref<10112x80xf32, #tpu.memory_space<vmem_shared>>) offsets(%dma_start3A_166 : memref<128xi32, #tpu.memory_space<vmem>>) semaphore(%arg19 : memref<!tpu.dma_semaphore, #tpu.memory_space<semaphore_mem>>) {add = true}
      } else {
      }
      %eq3A_154 = arith.constant 1 : i32
      %eq3A_155 = arith.cmpi eq, %arg0, %eq3A_154 : i32
      %convert_element_type3A_156 = arith.extui %eq3A_155 : i1 to i32
      %cond3A_157 = arith.constant 0 : i32
      %cond3A_158 = arith.cmpi ne, %convert_element_type3A_156, %cond3A_157 : i32
      scf.if %cond3A_158 {
        %dma_start3A_159 = arith.constant 0 : i32
        %dma_start3A_160 = arith.constant 0 : i32
        %dma_start3A_161 = arith.constant 0 : i32
        %dma_start3A_162 = tpu.memref_slice %arg12[%rem3A_104, %dma_start3A_160, %dma_start3A_161] : memref<2x128x64xf32, #tpu.memory_space<vmem>> -> memref<1x128x64xf32, #tpu.memory_space<vmem>>
        %dma_start3A_163 = tpu.memref_squeeze %dma_start3A_162 : memref<1x128x64xf32, #tpu.memory_space<vmem>> -> memref<128x64xf32, #tpu.memory_space<vmem>>
        %dma_start3A_164 = arith.constant 0 : i32
        %dma_start3A_165 = tpu.memref_slice %arg10[%rem3A_107, %dma_start3A_159, %dma_start3A_164] : memref<3x2x128xi32, #tpu.memory_space<vmem>> -> memref<1x1x128xi32, #tpu.memory_space<vmem>>
        %dma_start3A_166 = tpu.memref_squeeze %dma_start3A_165 : memref<1x1x128xi32, #tpu.memory_space<vmem>> -> memref<128xi32, #tpu.memory_space<vmem>>
        %dma_start3A_167 = arith.constant 0 : i32
        %dma_start3A_168 = arith.constant 0 : i32
        %dma_start3A_169 = tpu.memref_slice %arg15[%dma_start3A_167, %dma_start3A_168] : memref<10112x64xf32, #tpu.memory_space<vmem_shared>> -> memref<10112x64xf32, #tpu.memory_space<vmem_shared>>
        tpu.enqueue_indirect_dma source(%dma_start3A_163 : memref<128x64xf32, #tpu.memory_space<vmem>>) target(%dma_start3A_169 : memref<10112x64xf32, #tpu.memory_space<vmem_shared>>) offsets(%dma_start3A_166 : memref<128xi32, #tpu.memory_space<vmem>>) semaphore(%arg19 : memref<!tpu.dma_semaphore, #tpu.memory_space<semaphore_mem>>) {add = true}
      } else {
      }
    }
    %scan3A_81 = arith.constant 157 : i32
    %eq3A_82 = arith.constant 0 : i32
    %eq3A_83 = arith.cmpi eq, %arg0, %eq3A_82 : i32
    %convert_element_type3A_84 = arith.extui %eq3A_83 : i1 to i32
    %cond3A_85 = arith.constant 0 : i32
    %cond3A_86 = arith.cmpi ne, %convert_element_type3A_84, %cond3A_85 : i32
    scf.if %cond3A_86 {
      %dma_wait3A = arith.constant 0 : i32
      %dma_wait3A_103 = arith.constant 0 : i32
      %dma_wait3A_104 = arith.constant 0 : i32
      %dma_wait3A_105 = arith.constant 0 : i32
      %dma_wait3A_106 = arith.constant 0 : i32
      %dma_wait3A_107 = tpu.memref_slice %arg11[%dma_wait3A, %dma_wait3A_105, %dma_wait3A_106] : memref<2x128x80xf32, #tpu.memory_space<vmem>> -> memref<1x128x80xf32, #tpu.memory_space<vmem>>
      %dma_wait3A_108 = tpu.memref_squeeze %dma_wait3A_107 : memref<1x128x80xf32, #tpu.memory_space<vmem>> -> memref<128x80xf32, #tpu.memory_space<vmem>>
      %dma_wait3A_109 = arith.constant 0 : i32
      %dma_wait3A_110 = tpu.memref_slice %arg10[%dma_wait3A_103, %dma_wait3A_104, %dma_wait3A_109] : memref<3x2x128xi32, #tpu.memory_space<vmem>> -> memref<1x1x128xi32, #tpu.memory_space<vmem>>
      %dma_wait3A_111 = tpu.memref_squeeze %dma_wait3A_110 : memref<1x1x128xi32, #tpu.memory_space<vmem>> -> memref<128xi32, #tpu.memory_space<vmem>>
      %dma_wait3A_112 = arith.constant 0 : i32
      %dma_wait3A_113 = arith.constant 0 : i32
      %dma_wait3A_114 = tpu.memref_slice %arg14[%dma_wait3A_112, %dma_wait3A_113] : memref<10112x80xf32, #tpu.memory_space<vmem_shared>> -> memref<10112x80xf32, #tpu.memory_space<vmem_shared>>
      tpu.wait_indirect_dma semaphore(%arg19 : memref<!tpu.dma_semaphore, #tpu.memory_space<semaphore_mem>>) src(%dma_wait3A_108 : memref<128x80xf32, #tpu.memory_space<vmem>>) dst(%dma_wait3A_114 : memref<10112x80xf32, #tpu.memory_space<vmem_shared>>)
    } else {
    }
    %eq3A_87 = arith.constant 1 : i32
    %eq3A_88 = arith.cmpi eq, %arg0, %eq3A_87 : i32
    %convert_element_type3A_89 = arith.extui %eq3A_88 : i1 to i32
    %cond3A_90 = arith.constant 0 : i32
    %cond3A_91 = arith.cmpi ne, %convert_element_type3A_89, %cond3A_90 : i32
    scf.if %cond3A_91 {
      %dma_wait3A = arith.constant 0 : i32
      %dma_wait3A_103 = arith.constant 0 : i32
      %dma_wait3A_104 = arith.constant 0 : i32
      %dma_wait3A_105 = arith.constant 0 : i32
      %dma_wait3A_106 = arith.constant 0 : i32
      %dma_wait3A_107 = tpu.memref_slice %arg12[%dma_wait3A, %dma_wait3A_105, %dma_wait3A_106] : memref<2x128x64xf32, #tpu.memory_space<vmem>> -> memref<1x128x64xf32, #tpu.memory_space<vmem>>
      %dma_wait3A_108 = tpu.memref_squeeze %dma_wait3A_107 : memref<1x128x64xf32, #tpu.memory_space<vmem>> -> memref<128x64xf32, #tpu.memory_space<vmem>>
      %dma_wait3A_109 = arith.constant 0 : i32
      %dma_wait3A_110 = tpu.memref_slice %arg10[%dma_wait3A_103, %dma_wait3A_104, %dma_wait3A_109] : memref<3x2x128xi32, #tpu.memory_space<vmem>> -> memref<1x1x128xi32, #tpu.memory_space<vmem>>
      %dma_wait3A_111 = tpu.memref_squeeze %dma_wait3A_110 : memref<1x1x128xi32, #tpu.memory_space<vmem>> -> memref<128xi32, #tpu.memory_space<vmem>>
      %dma_wait3A_112 = arith.constant 0 : i32
      %dma_wait3A_113 = arith.constant 0 : i32
      %dma_wait3A_114 = tpu.memref_slice %arg15[%dma_wait3A_112, %dma_wait3A_113] : memref<10112x64xf32, #tpu.memory_space<vmem_shared>> -> memref<10112x64xf32, #tpu.memory_space<vmem_shared>>
      tpu.wait_indirect_dma semaphore(%arg19 : memref<!tpu.dma_semaphore, #tpu.memory_space<semaphore_mem>>) src(%dma_wait3A_108 : memref<128x64xf32, #tpu.memory_space<vmem>>) dst(%dma_wait3A_114 : memref<10112x64xf32, #tpu.memory_space<vmem_shared>>)
    } else {
    }
    %barrier3A_92 = arith.constant 0 : index
    tpu.barrier barrier_id(%barrier3A_92)
    %eq3A_93 = arith.constant 0 : i32
    %eq3A_94 = arith.cmpi eq, %arg0, %eq3A_93 : i32
    %convert_element_type3A_95 = arith.extui %eq3A_94 : i1 to i32
    %cond3A_96 = arith.constant 0 : i32
    %cond3A_97 = arith.cmpi ne, %convert_element_type3A_95, %cond3A_96 : i32
    scf.if %cond3A_97 {
      "tpu.region"() ({
        %run_scoped3A = tpu.sem_alloc : memref<!tpu.dma_semaphore, #tpu.memory_space<semaphore_mem>>
        %dma_start3A_103 = arith.constant 0 : i32
        %dma_start3A_104 = tpu.memref_slice %arg8[%mul3A_0, %dma_start3A_103] : memref<10112x80xf32, #tpu.memory_space<hbm>> -> memref<632x80xf32, #tpu.memory_space<hbm>>
        %dma_start3A_105 = arith.constant 0 : i32
        %dma_start3A_106 = tpu.memref_slice %arg14[%mul3A_0, %dma_start3A_105] : memref<10112x80xf32, #tpu.memory_space<vmem_shared>> -> memref<632x80xf32, #tpu.memory_space<vmem_shared>>
        tpu.enqueue_dma source(%dma_start3A_106 : memref<632x80xf32, #tpu.memory_space<vmem_shared>>) target(%dma_start3A_104 : memref<632x80xf32, #tpu.memory_space<hbm>>) target_semaphore(%run_scoped3A : memref<!tpu.dma_semaphore, #tpu.memory_space<semaphore_mem>>)
        %dma_wait3A = arith.constant 0 : i32
        %dma_wait3A_107 = tpu.memref_slice %arg8[%mul3A_0, %dma_wait3A] : memref<10112x80xf32, #tpu.memory_space<hbm>> -> memref<632x80xf32, #tpu.memory_space<hbm>>
        %dma_wait3A_108 = arith.constant 0 : i32
        %dma_wait3A_109 = tpu.memref_slice %arg14[%mul3A_0, %dma_wait3A_108] : memref<10112x80xf32, #tpu.memory_space<vmem_shared>> -> memref<632x80xf32, #tpu.memory_space<vmem_shared>>
        tpu.wait_dma2 semaphore(%run_scoped3A : memref<!tpu.dma_semaphore, #tpu.memory_space<semaphore_mem>>) src(%dma_wait3A_109 : memref<632x80xf32, #tpu.memory_space<vmem_shared>>) dst(%dma_wait3A_107 : memref<632x80xf32, #tpu.memory_space<hbm>>)
        tpu.yield
      }) : () -> ()
    } else {
    }
    %eq3A_98 = arith.constant 1 : i32
    %eq3A_99 = arith.cmpi eq, %arg0, %eq3A_98 : i32
    %convert_element_type3A_100 = arith.extui %eq3A_99 : i1 to i32
    %cond3A_101 = arith.constant 0 : i32
    %cond3A_102 = arith.cmpi ne, %convert_element_type3A_100, %cond3A_101 : i32
    scf.if %cond3A_102 {
      "tpu.region"() ({
        %run_scoped3A = tpu.sem_alloc : memref<!tpu.dma_semaphore, #tpu.memory_space<semaphore_mem>>
        %dma_start3A_103 = arith.constant 0 : i32
        %dma_start3A_104 = tpu.memref_slice %arg9[%mul3A_0, %dma_start3A_103] : memref<10112x64xf32, #tpu.memory_space<hbm>> -> memref<632x64xf32, #tpu.memory_space<hbm>>
        %dma_start3A_105 = arith.constant 0 : i32
        %dma_start3A_106 = tpu.memref_slice %arg15[%mul3A_0, %dma_start3A_105] : memref<10112x64xf32, #tpu.memory_space<vmem_shared>> -> memref<632x64xf32, #tpu.memory_space<vmem_shared>>
        tpu.enqueue_dma source(%dma_start3A_106 : memref<632x64xf32, #tpu.memory_space<vmem_shared>>) target(%dma_start3A_104 : memref<632x64xf32, #tpu.memory_space<hbm>>) target_semaphore(%run_scoped3A : memref<!tpu.dma_semaphore, #tpu.memory_space<semaphore_mem>>)
        %dma_wait3A = arith.constant 0 : i32
        %dma_wait3A_107 = tpu.memref_slice %arg9[%mul3A_0, %dma_wait3A] : memref<10112x64xf32, #tpu.memory_space<hbm>> -> memref<632x64xf32, #tpu.memory_space<hbm>>
        %dma_wait3A_108 = arith.constant 0 : i32
        %dma_wait3A_109 = tpu.memref_slice %arg15[%mul3A_0, %dma_wait3A_108] : memref<10112x64xf32, #tpu.memory_space<vmem_shared>> -> memref<632x64xf32, #tpu.memory_space<vmem_shared>>
        tpu.wait_dma2 semaphore(%run_scoped3A : memref<!tpu.dma_semaphore, #tpu.memory_space<semaphore_mem>>) src(%dma_wait3A_109 : memref<632x64xf32, #tpu.memory_space<vmem_shared>>) dst(%dma_wait3A_107 : memref<632x64xf32, #tpu.memory_space<hbm>>)
        tpu.yield
      }) : () -> ()
    } else {
    }
    return
  }
}

module attributes {stable_mosaic.version = 14 : i64} {
  func.func @_tc_body(%arg0: i32, %arg1: memref<1000x80xf32, #tpu.memory_space<vmem>>, %arg2: memref<1000x64xf32, #tpu.memory_space<vmem>>, %arg3: memref<1000x128xf32, #tpu.memory_space<vmem>>, %arg4: memref<16x32xf32, #tpu.memory_space<vmem>>, %arg5: memref<1x32xf32, #tpu.memory_space<vmem>>, %arg6: memref<32x32xf32, #tpu.memory_space<vmem>>, %arg7: memref<1x32xf32, #tpu.memory_space<vmem>>, %arg8: memref<128x128xf32, #tpu.memory_space<vmem>>, %arg9: memref<80x128xf32, #tpu.memory_space<vmem>>, %arg10: memref<48x128xf32, #tpu.memory_space<vmem>>, %arg11: memref<16x128xf32, #tpu.memory_space<vmem>>, %arg12: memref<32x128xf32, #tpu.memory_space<vmem>>, %arg13: memref<1x128xf32, #tpu.memory_space<vmem>>, %arg14: memref<128x128xf32, #tpu.memory_space<vmem>>, %arg15: memref<32x128xf32, #tpu.memory_space<vmem>>, %arg16: memref<1x128xf32, #tpu.memory_space<vmem>>, %arg17: memref<1000x128xf32, #tpu.memory_space<vmem>>) attributes {dimension_semantics = [#tpu.dimension_semantics<arbitrary>], iteration_bounds = array<i64: 10>, scalar_prefetch = 0 : i64, scratch_operands = 0 : i64, tpu.core_type = #tpu.core_type<tc>, window_params = [{transform_indices = @transform_0, window_bounds = array<i64: 1000, 80>}, {transform_indices = @transform_1, window_bounds = array<i64: 1000, 64>}, {transform_indices = @transform_2, window_bounds = array<i64: 1000, 128>}, {pipeline_mode = #tpu.pipeline_mode<synchronous>, transform_indices = @transform_3, window_bounds = array<i64: 16, 32>}, {pipeline_mode = #tpu.pipeline_mode<synchronous>, transform_indices = @transform_4, window_bounds = array<i64: 1, 32>}, {pipeline_mode = #tpu.pipeline_mode<synchronous>, transform_indices = @transform_5, window_bounds = array<i64: 32, 32>}, {pipeline_mode = #tpu.pipeline_mode<synchronous>, transform_indices = @transform_6, window_bounds = array<i64: 1, 32>}, {pipeline_mode = #tpu.pipeline_mode<synchronous>, transform_indices = @transform_7, window_bounds = array<i64: 128, 128>}, {pipeline_mode = #tpu.pipeline_mode<synchronous>, transform_indices = @transform_8, window_bounds = array<i64: 80, 128>}, {pipeline_mode = #tpu.pipeline_mode<synchronous>, transform_indices = @transform_9, window_bounds = array<i64: 48, 128>}, {pipeline_mode = #tpu.pipeline_mode<synchronous>, transform_indices = @transform_10, window_bounds = array<i64: 16, 128>}, {pipeline_mode = #tpu.pipeline_mode<synchronous>, transform_indices = @transform_11, window_bounds = array<i64: 32, 128>}, {pipeline_mode = #tpu.pipeline_mode<synchronous>, transform_indices = @transform_12, window_bounds = array<i64: 1, 128>}, {pipeline_mode = #tpu.pipeline_mode<synchronous>, transform_indices = @transform_13, window_bounds = array<i64: 128, 128>}, {pipeline_mode = #tpu.pipeline_mode<synchronous>, transform_indices = @transform_14, window_bounds = array<i64: 32, 128>}, {pipeline_mode = #tpu.pipeline_mode<synchronous>, transform_indices = @transform_15, window_bounds = array<i64: 1, 128>}, {transform_indices = @transform_16, window_bounds = array<i64: 1000, 128>}]} {
    %get3A = arith.constant 0 : index
    %get3A_0 = arith.constant 0 : index
    %get3A_1 = vector.load %arg1[%get3A, %get3A_0] : memref<1000x80xf32, #tpu.memory_space<vmem>>, vector<1000x80xf32>
    %get3A_2 = arith.constant 0 : index
    %get3A_3 = arith.constant 0 : index
    %get3A_4 = vector.load %arg2[%get3A_2, %get3A_3] : memref<1000x64xf32, #tpu.memory_space<vmem>>, vector<1000x64xf32>
    %slice3A = vector.extract_strided_slice %get3A_4 {offsets = [0, 48], sizes = [1000, 16], strides = [1, 1]} : vector<1000x64xf32> to vector<1000x16xf32>
    %slice3A_5 = vector.extract_strided_slice %slice3A {offsets = [0, 0], sizes = [1000, 1], strides = [1, 1]} : vector<1000x16xf32> to vector<1000x1xf32>
    %max3A = arith.constant 1.000000e+00 : f32
    %max3A_6 = vector.broadcast %max3A : f32 to vector<1000x1xf32>
    %max3A_7 = arith.maximumf %slice3A_5, %max3A_6 : vector<1000x1xf32>
    %div3A = arith.constant 1.000000e+00 : f32
    %div3A_8 = vector.broadcast %div3A : f32 to vector<1000x1xf32>
    %div3A_9 = arith.divf %div3A_8, %max3A_7 : vector<1000x1xf32>
    %min3A = arith.constant 1.000000e+00 : f32
    %min3A_10 = vector.broadcast %min3A : f32 to vector<1000x1xf32>
    %min3A_11 = arith.minimumf %slice3A_5, %min3A_10 : vector<1000x1xf32>
    %get3A_12 = arith.constant 0 : index
    %get3A_13 = arith.constant 0 : index
    %get3A_14 = vector.load %arg4[%get3A_12, %get3A_13] : memref<16x32xf32, #tpu.memory_space<vmem>>, vector<16x32xf32>
    %dot_general3A = arith.constant dense<0.000000e+00> : vector<1000x32xf32>
    %dot_general3A_15 = tpu.matmul %slice3A, %get3A_14, %dot_general3A {dimension_numbers = #tpu.dot_dimension_numbers<[1], [0], [0], [1], [0, 0, 1, 1], [], []>, transpose_lhs_hint = false} : vector<1000x16xf32>, vector<16x32xf32>, vector<1000x32xf32> -> vector<1000x32xf32>
    %mul3A = vector.broadcast %div3A_9 : vector<1000x1xf32> to vector<1000x32xf32>
    %mul3A_16 = arith.mulf %dot_general3A_15, %mul3A : vector<1000x32xf32>
    %get3A_17 = arith.constant 0 : index
    %get3A_18 = arith.constant 0 : index
    %get3A_19 = vector.load %arg5[%get3A_17, %get3A_18] : memref<1x32xf32, #tpu.memory_space<vmem>>, vector<1x32xf32>
    %mul3A_20 = vector.broadcast %min3A_11 : vector<1000x1xf32> to vector<1000x32xf32>
    %mul3A_21 = vector.broadcast %get3A_19 : vector<1x32xf32> to vector<1000x32xf32>
    %mul3A_22 = arith.mulf %mul3A_20, %mul3A_21 : vector<1000x32xf32>
    %add3A = arith.addf %mul3A_16, %mul3A_22 : vector<1000x32xf32>
    %get3A_23 = arith.constant 0 : index
    %get3A_24 = arith.constant 0 : index
    %get3A_25 = vector.load %arg6[%get3A_23, %get3A_24] : memref<32x32xf32, #tpu.memory_space<vmem>>, vector<32x32xf32>
    %dot_general3A_26 = arith.constant dense<0.000000e+00> : vector<1000x32xf32>
    %dot_general3A_27 = tpu.matmul %add3A, %get3A_25, %dot_general3A_26 {dimension_numbers = #tpu.dot_dimension_numbers<[1], [0], [0], [1], [0, 0, 1, 1], [], []>, transpose_lhs_hint = false} : vector<1000x32xf32>, vector<32x32xf32>, vector<1000x32xf32> -> vector<1000x32xf32>
    %get3A_28 = arith.constant 0 : index
    %get3A_29 = arith.constant 0 : index
    %get3A_30 = vector.load %arg7[%get3A_28, %get3A_29] : memref<1x32xf32, #tpu.memory_space<vmem>>, vector<1x32xf32>
    %add3A_31 = vector.broadcast %get3A_30 : vector<1x32xf32> to vector<1000x32xf32>
    %add3A_32 = arith.addf %dot_general3A_27, %add3A_31 : vector<1000x32xf32>
    %get3A_33 = arith.constant 0 : index
    %get3A_34 = arith.constant 0 : index
    %get3A_35 = vector.load %arg3[%get3A_33, %get3A_34] : memref<1000x128xf32, #tpu.memory_space<vmem>>, vector<1000x128xf32>
    %get3A_36 = arith.constant 0 : index
    %get3A_37 = arith.constant 0 : index
    %get3A_38 = vector.load %arg8[%get3A_36, %get3A_37] : memref<128x128xf32, #tpu.memory_space<vmem>>, vector<128x128xf32>
    %dot_general3A_39 = arith.constant dense<0.000000e+00> : vector<1000x128xf32>
    %dot_general3A_40 = tpu.matmul %get3A_35, %get3A_38, %dot_general3A_39 {dimension_numbers = #tpu.dot_dimension_numbers<[1], [0], [0], [1], [0, 0, 1, 1], [], []>, transpose_lhs_hint = false} : vector<1000x128xf32>, vector<128x128xf32>, vector<1000x128xf32> -> vector<1000x128xf32>
    %get3A_41 = arith.constant 0 : index
    %get3A_42 = arith.constant 0 : index
    %get3A_43 = vector.load %arg12[%get3A_41, %get3A_42] : memref<32x128xf32, #tpu.memory_space<vmem>>, vector<32x128xf32>
    %dot_general3A_44 = arith.constant dense<0.000000e+00> : vector<1000x128xf32>
    %dot_general3A_45 = tpu.matmul %add3A_32, %get3A_43, %dot_general3A_44 {dimension_numbers = #tpu.dot_dimension_numbers<[1], [0], [0], [1], [0, 0, 1, 1], [], []>, transpose_lhs_hint = false} : vector<1000x32xf32>, vector<32x128xf32>, vector<1000x128xf32> -> vector<1000x128xf32>
    %add3A_46 = arith.addf %dot_general3A_40, %dot_general3A_45 : vector<1000x128xf32>
    %get3A_47 = arith.constant 0 : index
    %get3A_48 = arith.constant 0 : index
    %get3A_49 = vector.load %arg13[%get3A_47, %get3A_48] : memref<1x128xf32, #tpu.memory_space<vmem>>, vector<1x128xf32>
    %add3A_50 = vector.broadcast %get3A_49 : vector<1x128xf32> to vector<1000x128xf32>
    %add3A_51 = arith.addf %add3A_46, %add3A_50 : vector<1000x128xf32>
    %get3A_52 = arith.constant 0 : index
    %get3A_53 = arith.constant 0 : index
    %get3A_54 = vector.load %arg9[%get3A_52, %get3A_53] : memref<80x128xf32, #tpu.memory_space<vmem>>, vector<80x128xf32>
    %dot_general3A_55 = arith.constant dense<0.000000e+00> : vector<1000x128xf32>
    %dot_general3A_56 = tpu.matmul %get3A_1, %get3A_54, %dot_general3A_55 {dimension_numbers = #tpu.dot_dimension_numbers<[1], [0], [0], [1], [0, 0, 1, 1], [], []>, transpose_lhs_hint = false} : vector<1000x80xf32>, vector<80x128xf32>, vector<1000x128xf32> -> vector<1000x128xf32>
    %slice3A_57 = vector.extract_strided_slice %get3A_4 {offsets = [0, 0], sizes = [1000, 48], strides = [1, 1]} : vector<1000x64xf32> to vector<1000x48xf32>
    %get3A_58 = arith.constant 0 : index
    %get3A_59 = arith.constant 0 : index
    %get3A_60 = vector.load %arg10[%get3A_58, %get3A_59] : memref<48x128xf32, #tpu.memory_space<vmem>>, vector<48x128xf32>
    %dot_general3A_61 = arith.constant dense<0.000000e+00> : vector<1000x128xf32>
    %dot_general3A_62 = tpu.matmul %slice3A_57, %get3A_60, %dot_general3A_61 {dimension_numbers = #tpu.dot_dimension_numbers<[1], [0], [0], [1], [0, 0, 1, 1], [], []>, transpose_lhs_hint = false} : vector<1000x48xf32>, vector<48x128xf32>, vector<1000x128xf32> -> vector<1000x128xf32>
    %add3A_63 = arith.addf %dot_general3A_56, %dot_general3A_62 : vector<1000x128xf32>
    %mul3A_64 = vector.broadcast %slice3A_5 : vector<1000x1xf32> to vector<1000x128xf32>
    %mul3A_65 = arith.mulf %mul3A_64, %add3A_51 : vector<1000x128xf32>
    %add3A_66 = arith.addf %mul3A_65, %add3A_63 : vector<1000x128xf32>
    %get3A_67 = arith.constant 0 : index
    %get3A_68 = arith.constant 0 : index
    %get3A_69 = vector.load %arg11[%get3A_67, %get3A_68] : memref<16x128xf32, #tpu.memory_space<vmem>>, vector<16x128xf32>
    %dot_general3A_70 = arith.constant dense<0.000000e+00> : vector<1000x128xf32>
    %dot_general3A_71 = tpu.matmul %slice3A, %get3A_69, %dot_general3A_70 {dimension_numbers = #tpu.dot_dimension_numbers<[1], [0], [0], [1], [0, 0, 1, 1], [], []>, transpose_lhs_hint = false} : vector<1000x16xf32>, vector<16x128xf32>, vector<1000x128xf32> -> vector<1000x128xf32>
    %add3A_72 = arith.addf %add3A_66, %dot_general3A_71 : vector<1000x128xf32>
    %mul3A_73 = vector.broadcast %div3A_9 : vector<1000x1xf32> to vector<1000x128xf32>
    %mul3A_74 = arith.mulf %add3A_72, %mul3A_73 : vector<1000x128xf32>
    %get3A_75 = arith.constant 0 : index
    %get3A_76 = arith.constant 0 : index
    %get3A_77 = vector.load %arg14[%get3A_75, %get3A_76] : memref<128x128xf32, #tpu.memory_space<vmem>>, vector<128x128xf32>
    %dot_general3A_78 = arith.constant dense<0.000000e+00> : vector<1000x128xf32>
    %dot_general3A_79 = tpu.matmul %mul3A_74, %get3A_77, %dot_general3A_78 {dimension_numbers = #tpu.dot_dimension_numbers<[1], [0], [0], [1], [0, 0, 1, 1], [], []>, transpose_lhs_hint = false} : vector<1000x128xf32>, vector<128x128xf32>, vector<1000x128xf32> -> vector<1000x128xf32>
    %get3A_80 = arith.constant 0 : index
    %get3A_81 = arith.constant 0 : index
    %get3A_82 = vector.load %arg15[%get3A_80, %get3A_81] : memref<32x128xf32, #tpu.memory_space<vmem>>, vector<32x128xf32>
    %dot_general3A_83 = arith.constant dense<0.000000e+00> : vector<1000x128xf32>
    %dot_general3A_84 = tpu.matmul %add3A_32, %get3A_82, %dot_general3A_83 {dimension_numbers = #tpu.dot_dimension_numbers<[1], [0], [0], [1], [0, 0, 1, 1], [], []>, transpose_lhs_hint = false} : vector<1000x32xf32>, vector<32x128xf32>, vector<1000x128xf32> -> vector<1000x128xf32>
    %add3A_85 = arith.addf %dot_general3A_79, %dot_general3A_84 : vector<1000x128xf32>
    %get3A_86 = arith.constant 0 : index
    %get3A_87 = arith.constant 0 : index
    %get3A_88 = vector.load %arg16[%get3A_86, %get3A_87] : memref<1x128xf32, #tpu.memory_space<vmem>>, vector<1x128xf32>
    %add3A_89 = vector.broadcast %get3A_88 : vector<1x128xf32> to vector<1000x128xf32>
    %add3A_90 = arith.addf %add3A_85, %add3A_89 : vector<1000x128xf32>
    %swap3A = arith.constant 0 : index
    %swap3A_91 = arith.constant 0 : index
    %swap3A_92 = vector.load %arg17[%swap3A, %swap3A_91] : memref<1000x128xf32, #tpu.memory_space<vmem>>, vector<1000x128xf32>
    tpu.vector_store %arg17[%swap3A, %swap3A_91], %add3A_90 {strides = array<i32>} : memref<1000x128xf32, #tpu.memory_space<vmem>>, vector<1000x128xf32>,
    return
  }
  func.func @transform_0(%arg0: i32) -> (i32, i32) {
    %c0_i32 = arith.constant 0 : i32
    %c0_i32_0 = arith.constant 0 : i32
    return %arg0, %c0_i32 : i32, i32
  }
  func.func @transform_1(%arg0: i32) -> (i32, i32) {
    %c0_i32 = arith.constant 0 : i32
    %c0_i32_0 = arith.constant 0 : i32
    return %arg0, %c0_i32 : i32, i32
  }
  func.func @transform_2(%arg0: i32) -> (i32, i32) {
    %c0_i32 = arith.constant 0 : i32
    %c0_i32_0 = arith.constant 0 : i32
    return %arg0, %c0_i32 : i32, i32
  }
  func.func @transform_3(%arg0: i32) -> (i32, i32) {
    %c0_i32 = arith.constant 0 : i32
    %c0_i32_0 = arith.constant 0 : i32
    %c0_i32_1 = arith.constant 0 : i32
    return %c0_i32, %c0_i32_0 : i32, i32
  }
  func.func @transform_4(%arg0: i32) -> (i32, i32) {
    %c0_i32 = arith.constant 0 : i32
    %c0_i32_0 = arith.constant 0 : i32
    %c0_i32_1 = arith.constant 0 : i32
    return %c0_i32, %c0_i32_0 : i32, i32
  }
  func.func @transform_5(%arg0: i32) -> (i32, i32) {
    %c0_i32 = arith.constant 0 : i32
    %c0_i32_0 = arith.constant 0 : i32
    %c0_i32_1 = arith.constant 0 : i32
    return %c0_i32, %c0_i32_0 : i32, i32
  }
  func.func @transform_6(%arg0: i32) -> (i32, i32) {
    %c0_i32 = arith.constant 0 : i32
    %c0_i32_0 = arith.constant 0 : i32
    %c0_i32_1 = arith.constant 0 : i32
    return %c0_i32, %c0_i32_0 : i32, i32
  }
  func.func @transform_7(%arg0: i32) -> (i32, i32) {
    %c0_i32 = arith.constant 0 : i32
    %c0_i32_0 = arith.constant 0 : i32
    %c0_i32_1 = arith.constant 0 : i32
    return %c0_i32, %c0_i32_0 : i32, i32
  }
  func.func @transform_8(%arg0: i32) -> (i32, i32) {
    %c0_i32 = arith.constant 0 : i32
    %c0_i32_0 = arith.constant 0 : i32
    %c0_i32_1 = arith.constant 0 : i32
    return %c0_i32, %c0_i32_0 : i32, i32
  }
  func.func @transform_9(%arg0: i32) -> (i32, i32) {
    %c0_i32 = arith.constant 0 : i32
    %c0_i32_0 = arith.constant 0 : i32
    %c0_i32_1 = arith.constant 0 : i32
    return %c0_i32, %c0_i32_0 : i32, i32
  }
  func.func @transform_10(%arg0: i32) -> (i32, i32) {
    %c0_i32 = arith.constant 0 : i32
    %c0_i32_0 = arith.constant 0 : i32
    %c0_i32_1 = arith.constant 0 : i32
    return %c0_i32, %c0_i32_0 : i32, i32
  }
  func.func @transform_11(%arg0: i32) -> (i32, i32) {
    %c0_i32 = arith.constant 0 : i32
    %c0_i32_0 = arith.constant 0 : i32
    %c0_i32_1 = arith.constant 0 : i32
    return %c0_i32, %c0_i32_0 : i32, i32
  }
  func.func @transform_12(%arg0: i32) -> (i32, i32) {
    %c0_i32 = arith.constant 0 : i32
    %c0_i32_0 = arith.constant 0 : i32
    %c0_i32_1 = arith.constant 0 : i32
    return %c0_i32, %c0_i32_0 : i32, i32
  }
  func.func @transform_13(%arg0: i32) -> (i32, i32) {
    %c0_i32 = arith.constant 0 : i32
    %c0_i32_0 = arith.constant 0 : i32
    %c0_i32_1 = arith.constant 0 : i32
    return %c0_i32, %c0_i32_0 : i32, i32
  }
  func.func @transform_14(%arg0: i32) -> (i32, i32) {
    %c0_i32 = arith.constant 0 : i32
    %c0_i32_0 = arith.constant 0 : i32
    %c0_i32_1 = arith.constant 0 : i32
    return %c0_i32, %c0_i32_0 : i32, i32
  }
  func.func @transform_15(%arg0: i32) -> (i32, i32) {
    %c0_i32 = arith.constant 0 : i32
    %c0_i32_0 = arith.constant 0 : i32
    %c0_i32_1 = arith.constant 0 : i32
    return %c0_i32, %c0_i32_0 : i32, i32
  }
  func.func @transform_16(%arg0: i32) -> (i32, i32) {
    %c0_i32 = arith.constant 0 : i32
    %c0_i32_0 = arith.constant 0 : i32
    return %arg0, %c0_i32 : i32, i32
  }
}

</mosaic_0001>

<sc_bundles>
// kernel: kernel.4.cloned.1.call-start
scs
__scs_entry_jumppad:
0x0: {  	(pc) =	sbr.rel $0x88, $3  }
0x1: {  	(tag) =	ssettag $0x0;
	lr =	simm.s32 $0x1  }
0x2: {  	[smem:$0x3F96] =	sst lr;
	_ =	strace $0xD0000000  }
0x3: {  	_ = 	snop  }
0x4: {  	_ = 	snop  }
0x5: {  	_ = 	snop  }
0x6: {  	_ = 	snop  }
0x7: {  	_ = 	snop  }
__scs_overlays_trampoline_lowered:
0x8: {  	[smem:$0x3FA5] =	sst s0  }
0x9: {  	[smem:$0x3FA6] =	sst s1  }
0xa: {  	[smem:$0x3FA7] =	sst s2  }
0xb: {  	[smem:$0x3FA8] =	sst s3  }
0xc: {  	[smem:$0x3FA9] =	sst s4  }
0xd: {  	[smem:$0x3FAA] =	sst s5  }
0xe: {  	[smem:$0x3FAB] =	sst s6  }
0xf: {  	[smem:$0x3FAC] =	sst s7  }
0x10: {  	[smem:$0x3FAD] =	sst s8  }
0x11: {  	[smem:$0x3FAE] =	sst s9;
	s0 =	simm.s32 @!p0 $0x0  }
0x12: {  	s1 =	sld [smem:$0x3F94];
	s0 =	simm.s32 @p0 $0x1  }
0x13: {  	[smem:$0x3FAF] =	sst s0;
	s0 =	simm.s32 @!p1 $0x0  }
0x14: {  	s2 =	sld [smem:$0x3F93];
	s0 =	simm.s32 @p1 $0x1  }
0x15: {  	[smem:$0x3FB0] =	sst s0;
	s0 =	simm.s32 @!p2 $0x0  }
0x16: {  	s3 =	sld [smem:$0x3FDB];
	s0 =	simm.s32 @p2 $0x1  }
0x17: {  	s4 =	simm.s32 $0x1BF5;
	[smem:$0x3FB2] =	sst s0  }
0x18: {  	s0 =	sld [smem:$0x3F95];
	_ =	swait.ge [sflag:s4], $0x0  }
0x19: {  	s7 =	sld [smem:$0x3F96]  }
0x1a: {  	s8 =	sadd.s32 $0xFFFFE003, lr  }
0x1b: {  	s9 =	sadd.s32 $0xFFFFFEF7, lr;
	s5 =	simm.s32 $0xFFFFFFFF;
	p2 =	slt.u32 s8, $0xFFFFF086  }
0x1c: {  	p1 =	slt.u32 s9, $0xF7A;
	s5 =	simm.s32 @!p2 $0x0  }
0x1d: {  	s5 =	simm.s32 @p1 $0x1;
	p0 =	seq.s32 s7, s2  }
0x1e: {  	s7 =	smul.u32 @!p0 $0xF7A, s2;
	p2 =	seq.s32 @!p0 s5, $0x0  }
0x1f: {  	s9 =	smul.u32 $0xF7A, s1;
	s8 =	simm.s32 @!p0 $0x1BF5;
	p2 =	por !p2, p0  }
0x20: {  	[sflag:s8] =	ssyncset.s32 @!p0 $0xFFFFF086;
	s6 =	sadd.s32 @!p0 s3, s7;
	s7 =	simm.s32 @!p0 $0x108  }
0x21: {  	s3 =	sadd.s32 s3, s9;
	s6 =	sadd.s32 @!p0 $0x88, s6;
	s7 =	simm.s32 @p2 $0x1082  }
0x22: {  	[simem:s7], [sflag:s8] =	dma.local @!p0 [hbm:s6], $0xF7A  }
0x23: {  	s9 =	sor.u32 $0xD0000000, s2;
	s6 =	simm.s32 $0x108;
	_ =	swait.ge @!p0 [sflag:s8], $0x0  }
0x24: {  	s3 =	sadd.s32 $0x88, s3;
	s6 =	simm.s32 @!p1 $0x1082;
	[sflag:s4] =	ssyncset.s32 $0xFFFFF086  }
0x25: {  	[simem:s6], [sflag:s4] =	dma.local [hbm:s3], $0xF7A  }
0x26: {  	[smem:$0x3F96] =	sst s1;
	(tag) =	ssettag s2;
	_ =	strace s9  }
0x27: {  	s1 =	sld [smem:$0x3FA6]  }
0x28: {  	s2 =	sld [smem:$0x3FA7]  }
0x29: {  	s4 =	sld [smem:$0x3FA9]  }
0x2a: {  	p0 =	seq.s32 s5, $0x0;
	s5 =	sld [smem:$0x3FAA]  }
0x2b: {  	s6 =	sld [smem:$0x3FAB]  }
0x2c: {  	s7 =	sld [smem:$0x3FAC]  }
0x2d: {  	s3 =	simm.s32 $0x108;
	s8 =	sld [smem:$0x3FAD]  }
0x2e: {  	s3 =	simm.s32 @!p0 $0x1082;
	s9 =	sld [smem:$0x3FAE]  }
0x2f: {  	lr =	sadd.s32 s0, s3;
	s0 =	sld [smem:$0x3FA5]  }
0x30: {  	s3 =	sld [smem:$0x3FA8]  }
0x31: {  	[smem:$0x3FB1] =	sst s10  }
0x32: {  	s10 =	sld [smem:$0x3FAF];
	_ =	sdelay $0x3  }
0x33: {  	p0 =	seq.s32 s10, $0x1;
	s10 =	sld [smem:$0x3FB1];
	_ =	sdelay $0x3  }
0x34: {  	[smem:$0x3FB1] =	sst s10  }
0x35: {  	s10 =	sld [smem:$0x3FB0];
	_ =	sdelay $0x3  }
0x36: {  	p1 =	seq.s32 s10, $0x1;
	s10 =	sld [smem:$0x3FB1];
	_ =	sdelay $0x3  }
0x37: {  	[smem:$0x3FB1] =	sst s10  }
0x38: {  	s10 =	sld [smem:$0x3FB2]  }
0x39: {  	_ = 	snop;
	(pc) =	sbr.ind lr, $3  }
0x3a: {  	_ = 	snop  }
0x3b: {  	_ = 	snop  }
0x3c: {  	p2 =	seq.s32 s10, $0x1;
	s10 =	sld [smem:$0x3FB1]  }
0x3d: {  	_ =	shalt  }
0x3e: {  	_ =	shalt  }
0x3f: {  	_ =	shalt  }
0x40: {  	_ =	shalt  }
0x41: {  	_ =	shalt  }
0x42: {  	_ =	shalt  }
0x43: {  	_ =	shalt  }
0x44: {  	_ =	shalt  }
0x45: {  	_ =	shalt  }
0x46: {  	_ =	shalt  }
0x47: {  	_ =	shalt  }
0x48: {  	_ =	shalt  }
0x49: {  	_ =	shalt  }
0x4a: {  	_ =	shalt  }
0x4b: {  	_ =	shalt  }
0x4c: {  	_ =	shalt  }
0x4d: {  	_ =	shalt  }
0x4e: {  	_ =	shalt  }
0x4f: {  	_ =	shalt  }
0x50: {  	_ =	shalt  }
0x51: {  	_ =	shalt  }
0x52: {  	_ =	shalt  }
0x53: {  	_ =	shalt  }
0x54: {  	_ =	shalt  }
0x55: {  	_ =	shalt  }
0x56: {  	_ =	shalt  }
0x57: {  	_ =	shalt  }
0x58: {  	_ =	shalt  }
0x59: {  	_ =	shalt  }
0x5a: {  	_ =	shalt  }
0x5b: {  	_ =	shalt  }
0x5c: {  	_ =	shalt  }
0x5d: {  	_ =	shalt  }
0x5e: {  	_ =	shalt  }
0x5f: {  	_ =	shalt  }
0x60: {  	_ =	shalt  }
0x61: {  	_ =	shalt  }
0x62: {  	_ =	shalt  }
0x63: {  	_ =	shalt  }
0x64: {  	_ =	shalt  }
0x65: {  	_ =	shalt  }
0x66: {  	_ =	shalt  }
0x67: {  	_ =	shalt  }
0x68: {  	_ =	shalt  }
0x69: {  	_ =	shalt  }
0x6a: {  	_ =	shalt  }
0x6b: {  	_ =	shalt  }
0x6c: {  	_ =	shalt  }
0x6d: {  	_ =	shalt  }
0x6e: {  	_ =	shalt  }
0x6f: {  	_ =	shalt  }
0x70: {  	_ =	shalt  }
0x71: {  	_ =	shalt  }
0x72: {  	_ =	shalt  }
0x73: {  	_ =	shalt  }
0x74: {  	_ =	shalt  }
0x75: {  	_ =	shalt  }
0x76: {  	_ =	shalt  }
0x77: {  	_ =	shalt  }
0x78: {  	_ =	shalt  }
0x79: {  	_ =	shalt  }
0x7a: {  	_ =	shalt  }
0x7b: {  	_ =	shalt  }
0x7c: {  	_ =	shalt  }
0x7d: {  	_ =	shalt  }
0x7e: {  	_ =	shalt  }
0x7f: {  	_ =	shalt  }
0x80: {  	_ =	shalt  }
0x81: {  	_ =	shalt  }
0x82: {  	_ =	shalt  }
0x83: {  	_ =	shalt  }
0x84: {  	_ =	shalt  }
0x85: {  	_ =	shalt  }
0x86: {  	_ =	shalt  }
0x87: {  	_ =	shalt  }
.Lfunc_end0:
.L_simem_size_0:
called_computation_lowered:
.L_overlay_start_0:
0x88: {  	s2 =	sld [smem:$0x3FD9]  }
0x89: {  	s3 =	sld [smem:$0x3FFE];
	_ =	sdelay $0x1  }
0x8a: {  	s1 =	srdreg.scid  }
0x8b: {  	s0 =	sand.u32 $0x1, s1  }
0x8c: {  	s17 =	sshll.u32 s0, $0xA;
	s2 =	sadd.s32 s3, s2  }
0x8d: {  	s2 =	sadd.s32 s2, s17  }
0x8e: {  	[smem:$0x3FBD] =	sst s2  }
0x8f: {  	_ = 	snop  }
0x90: {  	s2 =	sld [smem:$0x3FD0];
	(tm) =	ssettm $0x1  }
0x91: {  	s18 =	sld [smem:$0x3FFB];
	_ =	sdelay $0x3  }
0x92: {  	_ =	strace s18  }
0x93: {  	s3 =	sld [smem:$0x3FFC];
	_ =	sdelay $0x3  }
0x94: {  	_ =	strace s3  }
0x95: {  	s3 =	sld [smem:$0x3FFD];
	_ =	sdelay $0x3  }
0x96: {  	_ =	strace s3  }
0x97: {  	_ =	strace $0x8FFFFFFF  }
0x98: {  	s19 =	sld [smem:$0x3FDB];
	_ =	sdelay $0x1  }
0x99: {  	s4 =	simm.s32 $_scs_section_size  }
0x9a: {  	s5 =	simm.s32 $_size__tile_overlayer_lowered;
	s6 =	simm.s32 $_tile_overlayer_lowered  }
0x9b: {  	s22 =	simm.s32 $0x1BFF;
	s21 =	sshll.u32 s6, $0x1;
	s3 =	sadd.s32 s4, s19  }
0x9c: {  	s7 =	simm.s32 $0x0;
	s20 =	sshll.u32 s5, $0x1;
	s5 =	sadd.s32 s21, s3  }
0x9d: {  	[timem:s7], [sflag:s22] =	dma.local [hbm:s5], s20  }
0x9e: {  	_ =	swait.ge [sflag:s22], s20  }
0x9f: {  	s4 =	ssub.s32 $0x0, s20;
	[sflag:s22] =	ssyncset.done $0x0  }
0xa0: {  	[sflag:s22] =	ssyncadd.s32 s4;
	_ =	sdelay $0x1  }
0xa1: {  	s23 =	simm.s32 $0x1B8B  }
0xa2: {  	_ =	swait.ge [sflag:s23], $0x1  }
0xa3: {  	[sflag:s23] =	ssyncset.done $0x0  }
0xa4: {  	s25 =	simm.s32 $0x1B8E;
	s24 =	sld [smem:$0x3FFE];
	[sflag:s23] =	ssyncadd.s32 $0xFFFFFFFF  }
0xa5: {  	s26 =	simm.s32 $execute0_lowered;
	[smem:$0x3FD2] =	sst s25  }
0xa6: {  	s5 =	sshll.u32 s26, $0x1;
	_ =	strace $0x80000046;
	[dreg:$0x1] =	wrdreg $0xFFFFFFFF  }
0xa7: {  	s28 =	simm.s32 $_size_execute0_lowered;
	s3 =	sadd.s32 s3, s5;
	[dreg:$0x0] =	wrdreg $0x0  }
0xa8: {  	s5 =	sshll.u32 s28, $0x1;
	[dreg:$0x2] =	wrdreg s3  }
0xa9: {  	[dreg:$0x3] =	wrdreg s5  }
0xaa: {  	[dreg:$0x4] =	wrdreg $0xC0  }
0xab: {  	_ =	task [dreg:s7], $0x5FFFF  }
0xac: {  	[dreg:$0x1] =	wrdreg $0xFFFFFFFF  }
0xad: {  	[dreg:$0x0] =	wrdreg $0x60  }
0xae: {  	[dreg:$0x2] =	wrdreg s24  }
0xaf: {  	[dreg:$0x3] =	wrdreg s2  }
0xb0: {  	[dreg:$0x4] =	wrdreg $0x9B000  }
0xb1: {  	[dreg:$0x5] =	wrdreg $0x160800  }
0xb2: {  	[dreg:$0x6] =	wrdreg $0x9  }
0xb3: {  	_ =	task.clear_ibuf [dreg:s7], $0x7FFFF;
	_ =	strace $0x90000046  }
0xb4: {  	s29 =	simm.s32 $0x9;
	_ =	strace $0x80000048  }
0xb5: {  	_ =	swait.ge [sflag:s29], $0x1  }
0xb6: {  	[sflag:s29] =	ssyncadd.s32 $0xFFFFFFFF  }
0xb7: {  	_ =	strace $0x90000048  }
0xb8: {  	_ =	sfence  }
0xb9: {  	s30 =	sld [smem:$0x0];
	_ =	sdelay $0x2  }
0xba: {  	s31 =	sshll.u32 s1, $0xD;
	s1 =	sshrl.u32 s1, $0x2  }
0xbb: {  	s3 =	sand.u32 $0x4000, s31;
	s1 =	sadd.s32 s1, s30  }
0xbc: {  	s0 =	sor.u32 s3, s0;
	s1 =	sshll.u32 s1, $0x11  }
0xbd: {  	s0 =	sor.u32 s1, s0  }
0xbe: {  	s0 =	sadd.s32 $0x8F2B, s0  }
0xbf: {  	[sflag:s0] =	ssyncadd.remote.s32 $0x1  }
0xc0: {  	_ =	sfence.sel $0xFFFF  }
0xc1: {  	[dreg:$0x0] =	wrdreg $0xFFFFFFFF;
	(pc) =	sbr.abs _section_cstart, $3  }
0xc2: {  	[dreg:$0x1] =	wrdreg $0xFFFFFFFF  }
0xc3: {  	_ =	task.clear_ibuf [dreg:s7], $0x2FFFF;
	_ =	strace $0x9FFFFFFF  }
0xc4: {  	(tm) =	ssettm $0x7FFFFFFF  }
0xc5: {  	_ =	shalt  }
tec
execute0_lowered:
.L_overlay_start_1:
0x0: {  	(tag) =	ssettag $0x1  }
0x1: {  	s4 =	rddreg [dreg:$0x0]  }
0x2: {  	s0 =	rddreg [dreg:$0x1]  }
0x3: {  	s1 =	rddreg [dreg:$0x2]  }
0x4: {  	s3 =	rddreg [dreg:$0x3];
	s2 =	simm.s32 $0x0;
	s17 =	stileid.u32  }
0x5: {  	s9 =	srdreg.scid;
	s30 =	simm.s32 $0x5;
	s31 =	simm.s32 $0x5300  }
0x6: {  	v1 =	vlaneseq.u32;
	[smem:$0x7FF] =	sst s2;
	s25 =	sshll.u32 s17, $0x5;
	s13 =	smul.u32 $0x9E00, s17  }
0x7: {  	v0 =	vmul.u32 $0x10, v1;
	v1 =	vmul.u32 $0x40, v1;
	s5 =	sadd.s32 $0x1A400, s4;
	s6 =	sadd.s32 $0x1A00, s4;
	s12 =	smul.u32 $0x31600, s17  }
0x8: {  	v7 =	vimm.f32 $1.000000000e+00;
	s7 =	sadd.s32 $0x15400, s4;
	s8 =	sadd.s32 $0x46600, s4;
	s16 =	smul.u32 $0x27800, s17  }
0x9: {  	s9 =	sand.u32 $0x1, s9;
	s10 =	sadd.s32 $0x46C00, s4;
	s23 =	smul.u32 $0xC580, s17;
	v2 =	vor.u32 $0x1, v0;
	v12 =	vor.u32 $0x102, v0;
	v13 =	vor.u32 $0x430, v1  }
0xa: {  	s2 =	sadd.s32 s25, s4;
	s11 =	ssub.s32 $0x2, s9;
	p0 =	seq.s32 s9, $0x1;
	v14 =	vor.u32 $0x431, v1;
	v15 =	vor.u32 $0x432, v1;
	[tilespmem:$0x1FF70] =	vst v2;
	v2 =	vor.u32 $0x2, v0  }
0xb: {  	p1 =	sne.s32 s9, $0x0;
	v16 =	vor.u32 $0x433, v1;
	v17 =	vor.u32 $0x434, v1;
	s14 =	sshrl.u32 s13, $0x3;
	s15 =	sshrl.u32 s11, $0x1;
	[tilespmem:$0x1FF80] =	vst v2;
	v2 =	vor.u32 $0x30, v1  }
0xc: {  	v18 =	vor.u32 $0x200, v0;
	v19 =	vor.u32 $0x201, v0;
	s21 =	sshrl.u32 s12, $0x2;
	s22 =	sshrl.u32 s16, $0x2;
	s24 =	sshrl.u32 s23, $0x3;
	[tilespmem:$0x1FF90] =	vst v2;
	v2 =	vor.u32 $0x31, v1  }
0xd: {  	v20 =	vor.u32 $0x202, v0;
	v21 =	vor.u32 $0x830, v1;
	v22 =	vor.u32 $0x831, v1;
	s26 =	ssub.s32 s11, s15;
	s11 =	sadd.s32 s21, s1;
	s21 =	sadd.s32 $0x32C00, s2;
	[tilespmem:$0x1FFA0] =	vst v2  }
0xe: {  	v23 =	vor.u32 $0x832, v1;
	v24 =	vor.u32 $0x833, v1;
	v25 =	vor.u32 $0x834, v1;
	s0 =	sadd.s32 s0, s24;
	_ =	strace $0x80000047;
	[dreg:$0x5] =	wrdreg s21  }
0xf: {  	v26 =	vor.u32 $0x300, v0;
	v27 =	vor.u32 $0x301, v0;
	v28 =	vor.u32 $0x302, v0;
	s25 =	sadd.s32 $0x32E00, s2;
	s4 =	sadd.s32 s14, s4;
	[dreg:$0x6] =	wrdreg s0  }
0x10: {  	v29 =	vor.u32 $0xC30, v1;
	v30 =	vor.u32 $0xC31, v1;
	v31 =	vor.u32 $0xC32, v1;
	s12 =	sadd.s32 s22, s3;
	s4 =	sadd.s32 $0x47000, s4;
	[dreg:$0x7] =	wrdreg s25  }
0x11: {  	v32 =	vor.u32 $0xC33, v1;
	v33 =	vor.u32 $0xC34, v1;
	v34 =	vor.u32 $0x400, v0;
	s2 =	sadd.s32 $0x33000, s2;
	s26 =	smax.u32 s26, $0x1;
	[dreg:$0x8] =	wrdreg s4  }
0x12: {  	v35 =	vor.u32 $0x401, v0;
	v36 =	vor.u32 $0x402, v0;
	v37 =	vor.u32 $0x1030, v1;
	s16 =	sadd.s32 $0x2800, s11;
	s17 =	sadd.s32 $0x2000, s12;
	[dreg:$0x9] =	wrdreg s26  }
0x13: {  	v38 =	vor.u32 $0x1031, v1;
	v39 =	vor.u32 $0x1032, v1;
	v40 =	vor.u32 $0x1033, v1;
	s18 =	sadd.s32 $0x5000, s11;
	[dreg:$0xa] =	wrdreg s2;
	s2 =	sshrl.u32 @!p1 s16, $0x3  }
0x14: {  	v41 =	vor.u32 $0x1034, v1;
	v42 =	vor.u32 $0x500, v0;
	v43 =	vor.u32 $0x501, v0;
	s19 =	sadd.s32 $0x4000, s12;
	[dreg:$0xb] =	wrdreg s2;
	s2 =	sshrl.u32 @p0 s17, $0x3  }
0x15: {  	v44 =	vor.u32 $0x502, v0;
	v45 =	vor.u32 $0x1430, v1;
	v46 =	vor.u32 $0x1431, v1;
	s20 =	sadd.s32 $0x7800, s11;
	[dreg:$0xc] =	wrdreg s2;
	s2 =	sshrl.u32 @!p1 s18, $0x3  }
0x16: {  	v47 =	vor.u32 $0x1432, v1;
	v48 =	vor.u32 $0x1433, v1;
	v49 =	vor.u32 $0x1434, v1;
	s0 =	sadd.s32 s23, s1;
	[dreg:$0xd] =	wrdreg s2;
	s2 =	sshrl.u32 @p0 s19, $0x3  }
0x17: {  	v50 =	vor.u32 $0x600, v0;
	v51 =	vor.u32 $0x601, v0;
	v2 =	vor.u32 $0x32, v1;
	s4 =	sadd.s32 s13, s3;
	[dreg:$0xe] =	wrdreg s2;
	s2 =	sshrl.u32 @!p1 s20, $0x3  }
.Ltmp0:
0x18: {  	v52 =	vor.u32 $0x602, v0;
	v53 =	vor.u32 $0x1830, v1;
	[tilespmem:$0x1FFB0] =	vst v2;
	v2 =	vor.u32 $0x33, v1;
	[dreg:$0xf] =	wrdreg s2;
	s2 =	sadd.s32 $0x6000, s12;
	(pc) =	sbr.rel .LBB2_1-.Ltmp0, $4  }
0x19: {  	v54 =	vor.u32 $0x1831, v1;
	v55 =	vor.u32 $0x1832, v1;
	s13 =	sadd.s32 $0xA000, s11;
	[tilespmem:$0x1FFC0] =	vst v2;
	v2 =	vor.u32 $0x34, v1;
	s28 =	sshrl.u32 @!p1 s0, $0x3;
	s2 =	sshrl.u32 @p0 s2, $0x3  }
0x1a: {  	v56 =	vor.u32 $0x1833, v1;
	v57 =	vor.u32 $0x1834, v1;
	s29 =	sshrl.u32 @p0 s4, $0x3;
	[tilespmem:$0x1FFD0] =	vst v2;
	v2 =	vor.u32 $0x100, v0;
	[dreg:$0x10] =	wrdreg s2;
	s2 =	sshrl.u32 @!p1 s13, $0x3  }
0x1b: {  	v58 =	vor.u32 $0x700, v0;
	v59 =	vor.u32 $0x701, v0;
	s0 =	simm.s32 $0x9300;
	[tilespmem:$0x1FFE0] =	vst v2;
	v2 =	vor.u32 $0x101, v0;
	[dreg:$0x11] =	wrdreg s2;
	s2 =	sadd.s32 $0x8000, s12  }
0x1c: {  	v60 =	vor.u32 $0x702, v0;
	v61 =	vor.u32 $0x1C30, v1;
	v62 =	vor.u32 $0x1C31, v1;
	s4 =	simm.s32 $0x3;
	[tilespmem:$0x1FFF0] =	vst v2;
	s26 =	sshrl.u32 @p0 s2, $0x3;
	s2 =	simm.s32 $0x0  }
.LBB2_7:
0x1d: {  	s15 =	simm.s32 @!p1 $0x4  }
0x1e: {  	_ =	swait.ge @!p1 [sflag:s15], $0x2800  }
0x1f: {  	[sflag:s15] =	ssyncset.done @!p1 $0x0  }
0x20: {  	[sflag:s15] =	ssyncadd.s32 @!p1 $0xFFFFD800;
	s15 =	simm.s32 @p0 $0x4  }
0x21: {  	_ =	swait.ge @p0 [sflag:s15], $0x2000  }
0x22: {  	[sflag:s15] =	ssyncset.done @p0 $0x0  }
0x23: {  	[sflag:s15] =	ssyncadd.s32 @p0 $0xFFFFE000  }
0x24: {  	[bflag:$0x0] =	sbarrier.arrive $0xFFFF  }
0x25: {  	s15 =	rddreg [dreg:$0x6]  }
0x26: {  	[hbm:s15], [sflag:s13] =	dma.local @!p1 [spmem:s28], $0x18B0  }
0x27: {  	s13 =	simm.s32 @!p1 $0x5  }
0x28: {  	_ =	swait.ge @!p1 [sflag:s13], $0x18B0  }
0x29: {  	[sflag:s13] =	ssyncset.done @!p1 $0x0  }
0x2a: {  	[sflag:s13] =	ssyncadd.s32 @!p1 $0xFFFFE750;
	s13 =	rddreg [dreg:$0x8]  }
0x2b: {  	[hbm:s13], [sflag:s14] =	dma.local @p0 [spmem:s29], $0x13C0  }
0x2c: {  	s13 =	simm.s32 @p0 $0x5  }
0x2d: {  	_ =	swait.ge @p0 [sflag:s13], $0x13C0  }
0x2e: {  	s2 =	sadd.s32 $0x1, s2;
	s25 =	rddreg [dreg:$0x9]  }
0x2f: {  	p2 =	sne.s32 s2, s25  }
.Ltmp1:
0x30: {  	_ = 	snop;
	(pc) =	sbr.rel @!p2 .LBB2_8-.Ltmp1, $3  }
0x31: {  	_ =	sdelay $0x1  }
0x32: {  	[sflag:s13] =	ssyncset.done @p0 $0x0  }
0x33: {  	[sflag:s13] =	ssyncadd.s32 @p0 $0xFFFFEC40  }
.LBB2_1:
0x34: {  	s15 =	stileid.u32  }
0x35: {  	s13 =	sshll.u32 @!p1 s15, $0x6  }
0x36: {  	s14 =	sshrl.u32 @!p1 s11, $0x3;
	s16 =	simm.s32 @!p1 $0x5;
	s13 =	sor.u32 @!p1 $0x1C05, s13  }
0x37: {  	[spmem:s14], [sflag:s13] =	dma.local @!p1 [hbm:s8], $0x500  }
0x38: {  	_ =	swait.ge @!p1 [sflag:s16], $0x500  }
0x39: {  	s14 =	sshll.u32 @p0 s15, $0x6;
	[sflag:s16] =	ssyncset.done @!p1 $0x0  }
0x3a: {  	s17 =	sshrl.u32 @p0 s12, $0x3;
	s14 =	sor.u32 @p0 $0x1C05, s14;
	[sflag:s16] =	ssyncadd.s32 @!p1 $0xFFFFFB00  }
0x3b: {  	[spmem:s17], [sflag:s14] =	dma.local @p0 [hbm:s10], $0x400  }
0x3c: {  	s17 =	simm.s32 @p0 $0x5  }
0x3d: {  	_ =	swait.ge @p0 [sflag:s17], $0x400  }
0x3e: {  	[sflag:s17] =	ssyncset.done @p0 $0x0  }
0x3f: {  	s15 =	rddreg [dreg:$0xb];
	[sflag:s17] =	ssyncadd.s32 @p0 $0xFFFFFC00  }
0x40: {  	[spmem:s15], [sflag:s13] =	dma.local @!p1 [hbm:s8], $0x500  }
0x41: {  	_ =	swait.ge @!p1 [sflag:s16], $0x500  }
0x42: {  	[sflag:s16] =	ssyncset.done @!p1 $0x0  }
0x43: {  	s15 =	rddreg [dreg:$0xc];
	[sflag:s16] =	ssyncadd.s32 @!p1 $0xFFFFFB00  }
0x44: {  	[spmem:s15], [sflag:s14] =	dma.local @p0 [hbm:s10], $0x400  }
0x45: {  	_ =	swait.ge @p0 [sflag:s17], $0x400  }
0x46: {  	[sflag:s17] =	ssyncset.done @p0 $0x0  }
0x47: {  	s15 =	rddreg [dreg:$0xd];
	[sflag:s17] =	ssyncadd.s32 @p0 $0xFFFFFC00  }
0x48: {  	[spmem:s15], [sflag:s13] =	dma.local @!p1 [hbm:s8], $0x500  }
0x49: {  	_ =	swait.ge @!p1 [sflag:s16], $0x500  }
0x4a: {  	[sflag:s16] =	ssyncset.done @!p1 $0x0  }
0x4b: {  	s15 =	rddreg [dreg:$0xe];
	[sflag:s16] =	ssyncadd.s32 @!p1 $0xFFFFFB00  }
0x4c: {  	[spmem:s15], [sflag:s14] =	dma.local @p0 [hbm:s10], $0x400  }
0x4d: {  	_ =	swait.ge @p0 [sflag:s17], $0x400  }
0x4e: {  	[sflag:s17] =	ssyncset.done @p0 $0x0  }
0x4f: {  	s15 =	rddreg [dreg:$0xf];
	[sflag:s17] =	ssyncadd.s32 @p0 $0xFFFFFC00  }
0x50: {  	[spmem:s15], [sflag:s13] =	dma.local @!p1 [hbm:s8], $0x500  }
0x51: {  	_ =	swait.ge @!p1 [sflag:s16], $0x500  }
0x52: {  	[sflag:s16] =	ssyncset.done @!p1 $0x0  }
0x53: {  	s15 =	rddreg [dreg:$0x10];
	[sflag:s16] =	ssyncadd.s32 @!p1 $0xFFFFFB00  }
0x54: {  	[spmem:s15], [sflag:s14] =	dma.local @p0 [hbm:s10], $0x400  }
0x55: {  	_ =	swait.ge @p0 [sflag:s17], $0x400  }
0x56: {  	[sflag:s17] =	ssyncset.done @p0 $0x0  }
0x57: {  	s15 =	rddreg [dreg:$0x11];
	[sflag:s17] =	ssyncadd.s32 @p0 $0xFFFFFC00  }
0x58: {  	[spmem:s15], [sflag:s13] =	dma.local @!p1 [hbm:s8], $0x4B0  }
0x59: {  	_ =	swait.ge @!p1 [sflag:s16], $0x4B0  }
0x5a: {  	[sflag:s16] =	ssyncset.done @!p1 $0x0  }
0x5b: {  	[sflag:s16] =	ssyncadd.s32 @!p1 $0xFFFFFB50  }
0x5c: {  	[spmem:s26], [sflag:s14] =	dma.local @p0 [hbm:s10], $0x3C0  }
0x5d: {  	_ =	swait.ge @p0 [sflag:s17], $0x3C0  }
0x5e: {  	[sflag:s17] =	ssyncset.done @p0 $0x0  }
0x5f: {  	[sflag:s17] =	ssyncadd.s32 @p0 $0xFFFFFC40  }
0x60: {  	[bflag:$0x0] =	sbarrier.arrive $0xFFFF  }
0x61: {  	s22 =	simm.s32 $0x0;
	s23 =	rddreg [dreg:$0x5]  }
0x62: {  	[tilespmem:s22], [sflag:$0x5] =	stream.linear.gather [hbm4b:s23+s22], $0x100, $0x38;
	[tilespmem:$0x1FE80] =	vst v63  }
0x63: {  	_ =	swait.ge [sflag:s30], $0x100  }
0x64: {  	[sflag:s30] =	ssyncset.done $0x0  }
0x65: {  	s16 =	simm.s32 @!p1 $0x80;
	s17 =	simm.s32 @!p1 $0x300;
	[sflag:s30] =	ssyncadd.s32 $0xFFFFFF00  }
0x66: {  	[tilespmem:s17], [sflag:$0x1] =	stream.indirect.gather @!p1 [hbm4b:s5+s16], $0x50, s16, s16, $0xb8;
	[tilespmem:$0x1FE80] =	vst v63  }
0x67: {  	s16 =	simm.s32 @p0 $0x80;
	s17 =	simm.s32 @p0 $0x5300  }
0x68: {  	[tilespmem:s17], [sflag:$0x1] =	stream.indirect.gather @p0 [hbm4b:s6+s16], $0x40, s16, s16, $0xb8;
	[tilespmem:$0x1FE80] =	vst v63  }
.Ltmp2:
0x69: {  	_ = 	snop;
	(pc) =	sbr.rel .LBB2_2-.Ltmp2, $4  }
0x6a: {  	s18 =	simm.s32 @p0 $0x9300;
	s24 =	rddreg [dreg:$0x7];
	s17 =	simm.s32 @p0 $0x0  }
0x6b: {  	[tilespmem:s18], [sflag:$0x2] =	stream.indirect.gather @p0 [hbm4b:s7+s16], $0x10, s17, s16, $0xb8;
	[tilespmem:$0x1FE80] =	vst v63  }
0x6c: {  	s25 =	simm.s32 $0x100;
	s18 =	rddreg [dreg:$0xa];
	s16 =	simm.s32 $0x0  }
0x6d: {  	[tilespmem:s25], [sflag:$0x3] =	stream.linear.gather [hbm4b:s24+s22], $0x100, $0x38;
	[tilespmem:$0x1FE80] =	vst v63  }
.LBB2_6:
0x6e: {  	s15 =	smul.u32 $0xAB, s16;
	_ =	sdelay $0x1  }
0x6f: {  	s15 =	sshrl.u32 s15, $0x9  }
0x70: {  	s15 =	sand.u32 $0x7F, s15  }
0x71: {  	s15 =	smul.u32 $0x3, s15  }
0x72: {  	s20 =	smul.u32 @!p1 $0xA000, s19  }
0x73: {  	s15 =	ssub.s32 s16, s15  }
0x74: {  	s21 =	simm.s32 @!p1 $0x80;
	s16 =	sshrl.u32 @!p1 s20, $0x2;
	s15 =	sand.u32 $0xFF, s15  }
0x75: {  	p2 =	sne.s32 s17, $0x9D;
	s16 =	sor.u32 @!p1 $0x300, s16;
	s20 =	sshll.u32 @!p1 s15, $0x8  }
0x76: {  	[spmem:s1] =	stream.indirect.scatter.add.f32 @!p1 [tilespmem:s16], [sflag:$0x4], $0x50, s20, s21, $0xb8;
	[tilespmem:$0x1FE80] =	vst v63  }
.Ltmp3:
0x77: {  	_ = 	snop;
	(pc) =	sbr.rel @!p2 .LBB2_7-.Ltmp3, $4  }
0x78: {  	s16 =	sshll.u32 @p0 s19, $0xD  }
0x79: {  	s15 =	sshll.u32 @p0 s15, $0x8;
	s19 =	simm.s32 @p0 $0x80;
	s16 =	sor.u32 @p0 $0x5300, s16  }
0x7a: {  	[spmem:s3] =	stream.indirect.scatter.add.f32 @p0 [tilespmem:s16], [sflag:$0x4], $0x40, s15, s19, $0xb8;
	[tilespmem:$0x1FE80] =	vst v63  }
0x7b: {  	s18 =	sadd.s32 $0x200, s18;
	s16 =	smov.u32 s17  }
.LBB2_2:
0x7c: {  	s17 =	simm.s32 @!p1 $0x1  }
0x7d: {  	_ =	swait.ge @!p1 [sflag:s17], $0x2800  }
0x7e: {  	[sflag:s17] =	ssyncset.done @!p1 $0x0  }
0x7f: {  	[sflag:s17] =	ssyncadd.s32 @!p1 $0xFFFFD800;
	s17 =	simm.s32 @p0 $0x1  }
0x80: {  	_ =	swait.ge @p0 [sflag:s17], $0x2000  }
0x81: {  	[sflag:s17] =	ssyncset.done @p0 $0x0  }
0x82: {  	s19 =	simm.s32 @p0 $0x2;
	p2 =	seq.s32 s16, $0x0;
	[sflag:s17] =	ssyncadd.s32 @p0 $0xFFFFE000  }
0x83: {  	p3 =	sne.s32 @!p2 s9, $0x0;
	_ =	swait.ge @p0 [sflag:s19], $0x800  }
0x84: {  	p3 =	por p3, p2;
	[sflag:s19] =	ssyncset.done @p0 $0x0  }
0x85: {  	[sflag:s19] =	ssyncadd.s32 @p0 $0xFFFFF800;
	s19 =	simm.s32 @!p3 $0x4  }
0x86: {  	s17 =	sadd.s32 $0x1, s16;
	_ =	swait.ge @!p3 [sflag:s19], $0x2800  }
0x87: {  	s20 =	sand.u32 $0xFF, s17;
	[sflag:s19] =	ssyncset.done @!p3 $0x0  }
0x88: {  	s20 =	smul.u32 $0xAB, s20;
	[sflag:s19] =	ssyncadd.s32 @!p3 $0xFFFFD800;
	p3 =	seq.s32 @!p2 s16, $0x9C  }
0x89: {  	p3 =	por p2, !p3  }
.Ltmp4:
0x8a: {  	p4 =	por !p0, p2;
	s20 =	sshrl.u32 s20, $0x9;
	(pc) =	sbr.rel @!p3 .LBB2_4-.Ltmp4, $4  }
0x8b: {  	s21 =	simm.s32 @!p4 $0x4;
	s20 =	smul.u32 $0x3, s20  }
0x8c: {  	_ =	swait.ge @!p4 [sflag:s21], $0x2000  }
0x8d: {  	s19 =	sand.u32 $0x1, s16;
	s20 =	ssub.s32 s17, s20;
	[sflag:s21] =	ssyncset.done @!p4 $0x0  }
0x8e: {  	p2 =	por @!p2 $0x0, $0x0;
	s20 =	sand.u32 $0xFF, s20;
	[sflag:s21] =	ssyncadd.s32 @!p4 $0xFFFFE000  }
0x8f: {  	s21 =	sadd.s32 $0x2, s16;
	s22 =	sxor.u32 $0x1, s19  }
0x90: {  	s15 =	sand.u32 $0xFF, s21;
	s23 =	smul.u32 @!p1 $0xA000, s22  }
0x91: {  	_ =	swait.ge [sflag:s4], $0x100;
	s24 =	sshll.u32 @!p1 s20, $0x8;
	s15 =	smul.u32 $0xAB, s15  }
0x92: {  	s25 =	simm.s32 @!p1 $0x80;
	p3 =	sgt.u32 s16, $0x9A;
	[sflag:s4] =	ssyncset.done $0x0  }
0x93: {  	s24 =	sor.u32 @!p1 $0x80, s24;
	s23 =	sshrl.u32 @!p1 s23, $0x2;
	s15 =	sshrl.u32 s15, $0x9  }
0x94: {  	[sflag:s4] =	ssyncadd.s32 $0xFFFFFF00;
	s23 =	sor.u32 @!p1 $0x300, s23;
	s15 =	smul.u32 $0x3, s15  }
0x95: {  	[tilespmem:s23], [sflag:$0x1] =	stream.indirect.gather @!p1 [hbm4b:s5+s25], $0x50, s24, s25, $0xb8;
	[tilespmem:$0x1FE80] =	vst v63  }
0x96: {  	p2 =	por $0x1, $0x1;
	p4 =	por @!p3 $0x1, $0x1;
	s23 =	simm.s32 @p0 $0x80  }
0x97: {  	s15 =	ssub.s32 s21, s15;
	s21 =	sshll.u32 @p0 s22, $0xD;
	s22 =	sshll.u32 @p0 s20, $0x8  }
0x98: {  	s21 =	sor.u32 @p0 $0x5300, s21;
	s22 =	sor.u32 @p0 $0x80, s22;
	s15 =	sand.u32 $0xFF, s15  }
0x99: {  	[tilespmem:s21], [sflag:$0x1] =	stream.indirect.gather @p0 [hbm4b:s6+s23], $0x40, s22, s23, $0xb8;
	[tilespmem:$0x1FE80] =	vst v63  }
0x9a: {  	p2 =	por @!p3 p4, p4;
	s15 =	sshll.u32 @!p3 s15, $0x8;
	s21 =	simm.s32 @!p3 $0x0  }
0x9b: {  	[tilespmem:s15], [sflag:$0x3] =	stream.linear.gather @!p3 [hbm4b:s18+s21], $0x100, $0x38;
	[tilespmem:$0x1FE80] =	vst v63  }
.LBB2_4:
.Ltmp5:
0x9c: {  	(pc) =	sbr.rel @!p0 .LBB2_6-.Ltmp5, $1  }
0x9d: {  	_ =	sdelay $0x3  }
0x9e: {  	v2 =	vld [tilespmem:$0x1FF90];
	_ =	sdelay $0x3  }
0x9f: {  	s21 =	sshll.u32 s19, $0xD;
	v5 =	vld [tilespmem:$0x1FF70]  }
0xa0: {  	v63 =	vor.u32 s21, v2;
	v2 =	vld [tilespmem:$0x1FFA0];
	_ =	sdelay $0x1  }
0xa1: {  	v4 =	vld [tilespmem:$0x1FFB0]  }
0xa2: {  	v9 =	vld [tilespmem:$0x1FF80];
	_ =	sdelay $0x1  }
0xa3: {  	v2 =	vor.u32 s21, v2;
	_ =	sdelay $0x1  }
0xa4: {  	v3 =	vld.idx.msk [tilespmem:v0+s0+$0x0], $0xffff;
	v4 =	vor.u32 s21, v4  }
0xa5: {  	v5 =	vld.idx.msk [tilespmem:v5+s0+$0x0], $0xffff  }
0xa6: {  	v6 =	vld.idx.msk [tilespmem:v63+s31+$0x0], $0xffff  }
0xa7: {  	v8 =	vld.idx.msk [tilespmem:v2+s31+$0x0], $0xffff  }
0xa8: {  	v9 =	vld.idx.msk [tilespmem:v9+s0+$0x0], $0xffff  }
0xa9: {  	v10 =	vld.idx.msk [tilespmem:v4+s31+$0x0], $0xffff;
	_ =	sdelay $0x2  }
0xaa: {  	v3 =	vsub.f32 v6, v3;
	v5 =	vsub.f32 v8, v5;
	_ =	sdelay $0x1  }
0xab: {  	v6 =	vsub.f32 v10, v9;
	v8 =	vmul.f32 v3, v3;
	v9 =	vmul.f32 v5, v5;
	_ =	sdelay $0x1  }
0xac: {  	v8 =	vadd.f32 v9, v8;
	v9 =	vmul.f32 v6, v6;
	_ =	sdelay $0x1  }
0xad: {  	v8 =	vadd.f32 v9, v8;
	_ =	sdelay $0x1  }
0xae: {  	v9 =	vshrl.u32 v8, $0x1;
	v10 =	vmul.f32 $5.000000000e-01, v8  }
0xaf: {  	v9 =	vsub.s32 $0x5F3759DF, v9  }
0xb0: {  	v11 =	vmul.f32 v9, v10;
	_ =	sdelay $0x1  }
0xb1: {  	v11 =	vmul.f32 v9, v11;
	_ =	sdelay $0x1  }
0xb2: {  	v11 =	vsub.f32 $1.500000000e+00, v11;
	_ =	sdelay $0x1  }
0xb3: {  	v9 =	vmul.f32 v9, v11;
	_ =	sdelay $0x1  }
0xb4: {  	v11 =	vmul.f32 v9, v10;
	_ =	sdelay $0x1  }
0xb5: {  	v11 =	vmul.f32 v11, v9;
	_ =	sdelay $0x1  }
0xb6: {  	v11 =	vsub.f32 $1.500000000e+00, v11;
	_ =	sdelay $0x1  }
0xb7: {  	v9 =	vmul.f32 v11, v9;
	_ =	sdelay $0x1  }
0xb8: {  	v10 =	vmul.f32 v9, v10;
	_ =	sdelay $0x1  }
0xb9: {  	v10 =	vmul.f32 v10, v9;
	_ =	sdelay $0x1  }
0xba: {  	v10 =	vsub.f32 $1.500000000e+00, v10;
	_ =	sdelay $0x1  }
0xbb: {  	v9 =	vmul.f32 v10, v9;
	v10 =	vld [tilespmem:$0x1FFC0]  }
0xbc: {  	v11 =	vld [tilespmem:$0x1FFD0];
	_ =	sdelay $0x3  }
0xbd: {  	v10 =	vor.u32 s21, v10  }
0xbe: {  	v11 =	vor.u32 s21, v11;
	v8 =	vmul.f32 v9, v8  }
0xbf: {  	[tilespmem:v63+s31+$0x0] =	vst.idx.msk $0xffff, v7;
	v3 =	vmul.f32 v9, v3  }
0xc0: {  	[tilespmem:v2+s31+$0x0] =	vst.idx.msk $0xffff, v8;
	v2 =	vmul.f32 v9, v5  }
0xc1: {  	[tilespmem:v4+s31+$0x0] =	vst.idx.msk $0xffff, v3;
	v3 =	vmul.f32 v9, v6;
	v6 =	vld [tilespmem:$0x1FFF0]  }
0xc2: {  	[tilespmem:v10+s31+$0x0] =	vst.idx.msk $0xffff, v2  }
0xc3: {  	v4 =	vor.u32 s21, v13;
	[tilespmem:v11+s31+$0x0] =	vst.idx.msk $0xffff, v3;
	v3 =	vld [tilespmem:$0x1FFE0];
	_ =	sdelay $0x1  }
0xc4: {  	v2 =	vor.u32 s21, v14;
	_ =	sdelay $0x2  }
0xc5: {  	v5 =	vor.u32 s21, v15;
	v8 =	vld.idx.msk [tilespmem:v4+s31+$0x0], $0xffff  }
0xc6: {  	v6 =	vld.idx.msk [tilespmem:v6+s0+$0x0], $0xffff  }
0xc7: {  	v63 =	vld.idx.msk [tilespmem:v2+s31+$0x0], $0xffff  }
0xc8: {  	v3 =	vld.idx.msk [tilespmem:v3+s0+$0x0], $0xffff  }
0xc9: {  	v10 =	vld.idx.msk [tilespmem:v12+s0+$0x0], $0xffff  }
0xca: {  	v11 =	vld.idx.msk [tilespmem:v5+s31+$0x0], $0xffff;
	_ =	sdelay $0x2  }
0xcb: {  	v6 =	vsub.f32 v63, v6;
	v3 =	vsub.f32 v8, v3;
	_ =	sdelay $0x1  }
0xcc: {  	v63 =	vmul.f32 v6, v6;
	v8 =	vsub.f32 v11, v10;
	v9 =	vmul.f32 v3, v3;
	_ =	sdelay $0x1  }
0xcd: {  	v9 =	vadd.f32 v63, v9;
	v63 =	vmul.f32 v8, v8;
	_ =	sdelay $0x1  }
0xce: {  	v9 =	vadd.f32 v63, v9;
	_ =	sdelay $0x1  }
0xcf: {  	v10 =	vshrl.u32 v9, $0x1;
	v11 =	vmul.f32 $5.000000000e-01, v9  }
0xd0: {  	v10 =	vsub.s32 $0x5F3759DF, v10  }
0xd1: {  	v63 =	vmul.f32 v10, v11;
	_ =	sdelay $0x1  }
0xd2: {  	v63 =	vmul.f32 v10, v63;
	_ =	sdelay $0x1  }
0xd3: {  	v63 =	vsub.f32 $1.500000000e+00, v63;
	_ =	sdelay $0x1  }
0xd4: {  	v10 =	vmul.f32 v10, v63;
	_ =	sdelay $0x1  }
0xd5: {  	v63 =	vmul.f32 v10, v11;
	_ =	sdelay $0x1  }
0xd6: {  	v63 =	vmul.f32 v63, v10;
	_ =	sdelay $0x1  }
0xd7: {  	v63 =	vsub.f32 $1.500000000e+00, v63;
	_ =	sdelay $0x1  }
0xd8: {  	v10 =	vmul.f32 v63, v10;
	_ =	sdelay $0x1  }
0xd9: {  	v11 =	vmul.f32 v10, v11;
	_ =	sdelay $0x1  }
0xda: {  	v11 =	vmul.f32 v11, v10;
	_ =	sdelay $0x1  }
0xdb: {  	v11 =	vsub.f32 $1.500000000e+00, v11;
	_ =	sdelay $0x1  }
0xdc: {  	v10 =	vmul.f32 v11, v10  }
0xdd: {  	v11 =	vor.u32 s21, v16  }
0xde: {  	v63 =	vor.u32 s21, v17;
	v9 =	vmul.f32 v10, v9  }
0xdf: {  	[tilespmem:v4+s31+$0x0] =	vst.idx.msk $0xffff, v7;
	v3 =	vmul.f32 v10, v3  }
0xe0: {  	[tilespmem:v2+s31+$0x0] =	vst.idx.msk $0xffff, v9;
	v2 =	vmul.f32 v10, v6  }
0xe1: {  	v4 =	vor.u32 s21, v21;
	[tilespmem:v5+s31+$0x0] =	vst.idx.msk $0xffff, v3;
	v3 =	vmul.f32 v10, v8  }
0xe2: {  	[tilespmem:v11+s31+$0x0] =	vst.idx.msk $0xffff, v2;
	v2 =	vor.u32 s21, v22  }
0xe3: {  	[tilespmem:v63+s31+$0x0] =	vst.idx.msk $0xffff, v3  }
0xe4: {  	v5 =	vor.u32 s21, v23;
	v3 =	vld.idx.msk [tilespmem:v18+s0+$0x0], $0xffff  }
0xe5: {  	v6 =	vld.idx.msk [tilespmem:v19+s0+$0x0], $0xffff  }
0xe6: {  	v8 =	vld.idx.msk [tilespmem:v4+s31+$0x0], $0xffff  }
0xe7: {  	v9 =	vld.idx.msk [tilespmem:v2+s31+$0x0], $0xffff  }
0xe8: {  	v63 =	vld.idx.msk [tilespmem:v20+s0+$0x0], $0xffff  }
0xe9: {  	v11 =	vld.idx.msk [tilespmem:v5+s31+$0x0], $0xffff;
	_ =	sdelay $0x2  }
0xea: {  	v3 =	vsub.f32 v8, v3;
	v6 =	vsub.f32 v9, v6;
	_ =	sdelay $0x1  }
0xeb: {  	v8 =	vsub.f32 v11, v63;
	v9 =	vmul.f32 v3, v3;
	v63 =	vmul.f32 v6, v6;
	_ =	sdelay $0x1  }
0xec: {  	v9 =	vadd.f32 v63, v9;
	v63 =	vmul.f32 v8, v8;
	_ =	sdelay $0x1  }
0xed: {  	v9 =	vadd.f32 v63, v9;
	_ =	sdelay $0x1  }
0xee: {  	v10 =	vshrl.u32 v9, $0x1;
	v11 =	vmul.f32 $5.000000000e-01, v9  }
0xef: {  	v10 =	vsub.s32 $0x5F3759DF, v10  }
0xf0: {  	v63 =	vmul.f32 v10, v11;
	_ =	sdelay $0x1  }
0xf1: {  	v63 =	vmul.f32 v10, v63;
	_ =	sdelay $0x1  }
0xf2: {  	v63 =	vsub.f32 $1.500000000e+00, v63;
	_ =	sdelay $0x1  }
0xf3: {  	v10 =	vmul.f32 v10, v63;
	_ =	sdelay $0x1  }
0xf4: {  	v63 =	vmul.f32 v10, v11;
	_ =	sdelay $0x1  }
0xf5: {  	v63 =	vmul.f32 v63, v10;
	_ =	sdelay $0x1  }
0xf6: {  	v63 =	vsub.f32 $1.500000000e+00, v63;
	_ =	sdelay $0x1  }
0xf7: {  	v10 =	vmul.f32 v63, v10;
	_ =	sdelay $0x1  }
0xf8: {  	v11 =	vmul.f32 v10, v11;
	_ =	sdelay $0x1  }
0xf9: {  	v11 =	vmul.f32 v11, v10;
	_ =	sdelay $0x1  }
0xfa: {  	v11 =	vsub.f32 $1.500000000e+00, v11;
	_ =	sdelay $0x1  }
0xfb: {  	v10 =	vmul.f32 v11, v10  }
0xfc: {  	v11 =	vor.u32 s21, v24  }
0xfd: {  	v63 =	vor.u32 s21, v25;
	v9 =	vmul.f32 v10, v9  }
0xfe: {  	[tilespmem:v4+s31+$0x0] =	vst.idx.msk $0xffff, v7;
	v3 =	vmul.f32 v10, v3  }
0xff: {  	[tilespmem:v2+s31+$0x0] =	vst.idx.msk $0xffff, v9;
	v2 =	vmul.f32 v10, v6  }
0x100: {  	v4 =	vor.u32 s21, v29;
	[tilespmem:v5+s31+$0x0] =	vst.idx.msk $0xffff, v3;
	v3 =	vmul.f32 v10, v8  }
0x101: {  	[tilespmem:v11+s31+$0x0] =	vst.idx.msk $0xffff, v2;
	v2 =	vor.u32 s21, v30  }
0x102: {  	[tilespmem:v63+s31+$0x0] =	vst.idx.msk $0xffff, v3  }
0x103: {  	v5 =	vor.u32 s21, v31;
	v3 =	vld.idx.msk [tilespmem:v26+s0+$0x0], $0xffff  }
0x104: {  	v6 =	vld.idx.msk [tilespmem:v27+s0+$0x0], $0xffff  }
0x105: {  	v8 =	vld.idx.msk [tilespmem:v4+s31+$0x0], $0xffff  }
0x106: {  	v9 =	vld.idx.msk [tilespmem:v2+s31+$0x0], $0xffff  }
0x107: {  	v63 =	vld.idx.msk [tilespmem:v28+s0+$0x0], $0xffff  }
0x108: {  	v11 =	vld.idx.msk [tilespmem:v5+s31+$0x0], $0xffff;
	_ =	sdelay $0x2  }
0x109: {  	v3 =	vsub.f32 v8, v3;
	v6 =	vsub.f32 v9, v6;
	_ =	sdelay $0x1  }
0x10a: {  	v8 =	vsub.f32 v11, v63;
	v9 =	vmul.f32 v3, v3;
	v63 =	vmul.f32 v6, v6;
	_ =	sdelay $0x1  }
0x10b: {  	v9 =	vadd.f32 v63, v9;
	v63 =	vmul.f32 v8, v8;
	_ =	sdelay $0x1  }
0x10c: {  	v9 =	vadd.f32 v63, v9;
	_ =	sdelay $0x1  }
0x10d: {  	v10 =	vshrl.u32 v9, $0x1;
	v11 =	vmul.f32 $5.000000000e-01, v9  }
0x10e: {  	v10 =	vsub.s32 $0x5F3759DF, v10  }
0x10f: {  	v63 =	vmul.f32 v10, v11;
	_ =	sdelay $0x1  }
0x110: {  	v63 =	vmul.f32 v10, v63;
	_ =	sdelay $0x1  }
0x111: {  	v63 =	vsub.f32 $1.500000000e+00, v63;
	_ =	sdelay $0x1  }
0x112: {  	v10 =	vmul.f32 v10, v63;
	_ =	sdelay $0x1  }
0x113: {  	v63 =	vmul.f32 v10, v11;
	_ =	sdelay $0x1  }
0x114: {  	v63 =	vmul.f32 v63, v10;
	_ =	sdelay $0x1  }
0x115: {  	v63 =	vsub.f32 $1.500000000e+00, v63;
	_ =	sdelay $0x1  }
0x116: {  	v10 =	vmul.f32 v63, v10;
	_ =	sdelay $0x1  }
0x117: {  	v11 =	vmul.f32 v10, v11;
	_ =	sdelay $0x1  }
0x118: {  	v11 =	vmul.f32 v11, v10;
	_ =	sdelay $0x1  }
0x119: {  	v11 =	vsub.f32 $1.500000000e+00, v11;
	_ =	sdelay $0x1  }
0x11a: {  	v10 =	vmul.f32 v11, v10  }
0x11b: {  	v11 =	vor.u32 s21, v32  }
0x11c: {  	v63 =	vor.u32 s21, v33;
	v9 =	vmul.f32 v10, v9  }
0x11d: {  	[tilespmem:v4+s31+$0x0] =	vst.idx.msk $0xffff, v7;
	v3 =	vmul.f32 v10, v3  }
0x11e: {  	[tilespmem:v2+s31+$0x0] =	vst.idx.msk $0xffff, v9;
	v2 =	vmul.f32 v10, v6  }
0x11f: {  	v4 =	vor.u32 s21, v37;
	[tilespmem:v5+s31+$0x0] =	vst.idx.msk $0xffff, v3;
	v3 =	vmul.f32 v10, v8  }
0x120: {  	[tilespmem:v11+s31+$0x0] =	vst.idx.msk $0xffff, v2;
	v2 =	vor.u32 s21, v38  }
0x121: {  	[tilespmem:v63+s31+$0x0] =	vst.idx.msk $0xffff, v3  }
0x122: {  	v5 =	vor.u32 s21, v39;
	v3 =	vld.idx.msk [tilespmem:v34+s0+$0x0], $0xffff  }
0x123: {  	v6 =	vld.idx.msk [tilespmem:v35+s0+$0x0], $0xffff  }
0x124: {  	v8 =	vld.idx.msk [tilespmem:v4+s31+$0x0], $0xffff  }
0x125: {  	v9 =	vld.idx.msk [tilespmem:v2+s31+$0x0], $0xffff  }
0x126: {  	v63 =	vld.idx.msk [tilespmem:v36+s0+$0x0], $0xffff  }
0x127: {  	v11 =	vld.idx.msk [tilespmem:v5+s31+$0x0], $0xffff;
	_ =	sdelay $0x2  }
0x128: {  	v3 =	vsub.f32 v8, v3;
	v6 =	vsub.f32 v9, v6;
	_ =	sdelay $0x1  }
0x129: {  	v8 =	vsub.f32 v11, v63;
	v9 =	vmul.f32 v3, v3;
	v63 =	vmul.f32 v6, v6;
	_ =	sdelay $0x1  }
0x12a: {  	v9 =	vadd.f32 v63, v9;
	v63 =	vmul.f32 v8, v8;
	_ =	sdelay $0x1  }
0x12b: {  	v9 =	vadd.f32 v63, v9;
	_ =	sdelay $0x1  }
0x12c: {  	v10 =	vshrl.u32 v9, $0x1;
	v11 =	vmul.f32 $5.000000000e-01, v9  }
0x12d: {  	v10 =	vsub.s32 $0x5F3759DF, v10  }
0x12e: {  	v63 =	vmul.f32 v10, v11;
	_ =	sdelay $0x1  }
0x12f: {  	v63 =	vmul.f32 v10, v63;
	_ =	sdelay $0x1  }
0x130: {  	v63 =	vsub.f32 $1.500000000e+00, v63;
	_ =	sdelay $0x1  }
0x131: {  	v10 =	vmul.f32 v10, v63;
	_ =	sdelay $0x1  }
0x132: {  	v63 =	vmul.f32 v10, v11;
	_ =	sdelay $0x1  }
0x133: {  	v63 =	vmul.f32 v63, v10;
	_ =	sdelay $0x1  }
0x134: {  	v63 =	vsub.f32 $1.500000000e+00, v63;
	_ =	sdelay $0x1  }
0x135: {  	v10 =	vmul.f32 v63, v10;
	_ =	sdelay $0x1  }
0x136: {  	v11 =	vmul.f32 v10, v11;
	_ =	sdelay $0x1  }
0x137: {  	v11 =	vmul.f32 v11, v10;
	_ =	sdelay $0x1  }
0x138: {  	v11 =	vsub.f32 $1.500000000e+00, v11;
	_ =	sdelay $0x1  }
0x139: {  	v10 =	vmul.f32 v11, v10  }
0x13a: {  	v11 =	vor.u32 s21, v40  }
0x13b: {  	v63 =	vor.u32 s21, v41;
	v9 =	vmul.f32 v10, v9  }
0x13c: {  	[tilespmem:v4+s31+$0x0] =	vst.idx.msk $0xffff, v7;
	v3 =	vmul.f32 v10, v3  }
0x13d: {  	[tilespmem:v2+s31+$0x0] =	vst.idx.msk $0xffff, v9;
	v2 =	vmul.f32 v10, v6  }
0x13e: {  	v4 =	vor.u32 s21, v45;
	[tilespmem:v5+s31+$0x0] =	vst.idx.msk $0xffff, v3;
	v3 =	vmul.f32 v10, v8  }
0x13f: {  	[tilespmem:v11+s31+$0x0] =	vst.idx.msk $0xffff, v2;
	v2 =	vor.u32 s21, v46  }
0x140: {  	[tilespmem:v63+s31+$0x0] =	vst.idx.msk $0xffff, v3  }
0x141: {  	v5 =	vor.u32 s21, v47;
	v3 =	vld.idx.msk [tilespmem:v42+s0+$0x0], $0xffff  }
0x142: {  	v6 =	vld.idx.msk [tilespmem:v43+s0+$0x0], $0xffff  }
0x143: {  	v8 =	vld.idx.msk [tilespmem:v4+s31+$0x0], $0xffff  }
0x144: {  	v9 =	vld.idx.msk [tilespmem:v2+s31+$0x0], $0xffff  }
0x145: {  	v63 =	vld.idx.msk [tilespmem:v44+s0+$0x0], $0xffff  }
0x146: {  	v11 =	vld.idx.msk [tilespmem:v5+s31+$0x0], $0xffff;
	_ =	sdelay $0x2  }
0x147: {  	v3 =	vsub.f32 v8, v3;
	v6 =	vsub.f32 v9, v6;
	_ =	sdelay $0x1  }
0x148: {  	v8 =	vsub.f32 v11, v63;
	v9 =	vmul.f32 v3, v3;
	v63 =	vmul.f32 v6, v6;
	_ =	sdelay $0x1  }
0x149: {  	v9 =	vadd.f32 v63, v9;
	v63 =	vmul.f32 v8, v8;
	_ =	sdelay $0x1  }
0x14a: {  	v9 =	vadd.f32 v63, v9;
	_ =	sdelay $0x1  }
0x14b: {  	v10 =	vshrl.u32 v9, $0x1;
	v11 =	vmul.f32 $5.000000000e-01, v9  }
0x14c: {  	v10 =	vsub.s32 $0x5F3759DF, v10  }
0x14d: {  	v63 =	vmul.f32 v10, v11;
	_ =	sdelay $0x1  }
0x14e: {  	v63 =	vmul.f32 v10, v63;
	_ =	sdelay $0x1  }
0x14f: {  	v63 =	vsub.f32 $1.500000000e+00, v63;
	_ =	sdelay $0x1  }
0x150: {  	v10 =	vmul.f32 v10, v63;
	_ =	sdelay $0x1  }
0x151: {  	v63 =	vmul.f32 v10, v11;
	_ =	sdelay $0x1  }
0x152: {  	v63 =	vmul.f32 v63, v10;
	_ =	sdelay $0x1  }
0x153: {  	v63 =	vsub.f32 $1.500000000e+00, v63;
	_ =	sdelay $0x1  }
0x154: {  	v10 =	vmul.f32 v63, v10;
	_ =	sdelay $0x1  }
0x155: {  	v11 =	vmul.f32 v10, v11;
	_ =	sdelay $0x1  }
0x156: {  	v11 =	vmul.f32 v11, v10;
	_ =	sdelay $0x1  }
0x157: {  	v11 =	vsub.f32 $1.500000000e+00, v11;
	_ =	sdelay $0x1  }
0x158: {  	v10 =	vmul.f32 v11, v10  }
0x159: {  	v11 =	vor.u32 s21, v48  }
0x15a: {  	v63 =	vor.u32 s21, v49;
	v9 =	vmul.f32 v10, v9  }
0x15b: {  	[tilespmem:v4+s31+$0x0] =	vst.idx.msk $0xffff, v7;
	v3 =	vmul.f32 v10, v3  }
0x15c: {  	[tilespmem:v2+s31+$0x0] =	vst.idx.msk $0xffff, v9;
	v2 =	vmul.f32 v10, v6  }
0x15d: {  	v4 =	vor.u32 s21, v53;
	[tilespmem:v5+s31+$0x0] =	vst.idx.msk $0xffff, v3;
	v3 =	vmul.f32 v10, v8  }
0x15e: {  	[tilespmem:v11+s31+$0x0] =	vst.idx.msk $0xffff, v2;
	v2 =	vor.u32 s21, v54  }
0x15f: {  	[tilespmem:v63+s31+$0x0] =	vst.idx.msk $0xffff, v3  }
0x160: {  	v5 =	vor.u32 s21, v55;
	v3 =	vld.idx.msk [tilespmem:v50+s0+$0x0], $0xffff  }
0x161: {  	v6 =	vld.idx.msk [tilespmem:v51+s0+$0x0], $0xffff  }
0x162: {  	v8 =	vld.idx.msk [tilespmem:v4+s31+$0x0], $0xffff  }
0x163: {  	v9 =	vld.idx.msk [tilespmem:v2+s31+$0x0], $0xffff  }
0x164: {  	v63 =	vld.idx.msk [tilespmem:v52+s0+$0x0], $0xffff  }
0x165: {  	v11 =	vld.idx.msk [tilespmem:v5+s31+$0x0], $0xffff;
	_ =	sdelay $0x2  }
0x166: {  	v3 =	vsub.f32 v8, v3;
	v6 =	vsub.f32 v9, v6;
	_ =	sdelay $0x1  }
0x167: {  	v8 =	vsub.f32 v11, v63;
	v9 =	vmul.f32 v3, v3;
	v63 =	vmul.f32 v6, v6;
	_ =	sdelay $0x1  }
0x168: {  	v9 =	vadd.f32 v63, v9;
	v63 =	vmul.f32 v8, v8;
	_ =	sdelay $0x1  }
0x169: {  	v9 =	vadd.f32 v63, v9;
	_ =	sdelay $0x1  }
0x16a: {  	v10 =	vshrl.u32 v9, $0x1;
	v11 =	vmul.f32 $5.000000000e-01, v9  }
0x16b: {  	v10 =	vsub.s32 $0x5F3759DF, v10  }
0x16c: {  	v63 =	vmul.f32 v10, v11;
	_ =	sdelay $0x1  }
0x16d: {  	v63 =	vmul.f32 v10, v63;
	_ =	sdelay $0x1  }
0x16e: {  	v63 =	vsub.f32 $1.500000000e+00, v63;
	_ =	sdelay $0x1  }
0x16f: {  	v10 =	vmul.f32 v10, v63;
	_ =	sdelay $0x1  }
0x170: {  	v63 =	vmul.f32 v10, v11;
	_ =	sdelay $0x1  }
0x171: {  	v63 =	vmul.f32 v63, v10;
	_ =	sdelay $0x1  }
0x172: {  	v63 =	vsub.f32 $1.500000000e+00, v63;
	_ =	sdelay $0x1  }
0x173: {  	v10 =	vmul.f32 v63, v10;
	_ =	sdelay $0x1  }
0x174: {  	v11 =	vmul.f32 v10, v11;
	_ =	sdelay $0x1  }
0x175: {  	v11 =	vmul.f32 v11, v10;
	_ =	sdelay $0x1  }
0x176: {  	v11 =	vsub.f32 $1.500000000e+00, v11;
	_ =	sdelay $0x1  }
0x177: {  	v10 =	vmul.f32 v11, v10  }
0x178: {  	v11 =	vor.u32 s21, v56  }
0x179: {  	v63 =	vor.u32 s21, v57;
	v9 =	vmul.f32 v10, v9  }
0x17a: {  	[tilespmem:v4+s31+$0x0] =	vst.idx.msk $0xffff, v7;
	v3 =	vmul.f32 v10, v3  }
0x17b: {  	[tilespmem:v2+s31+$0x0] =	vst.idx.msk $0xffff, v9;
	v2 =	vmul.f32 v10, v6  }
0x17c: {  	v4 =	vor.u32 s21, v61;
	[tilespmem:v5+s31+$0x0] =	vst.idx.msk $0xffff, v3;
	v3 =	vmul.f32 v10, v8  }
0x17d: {  	[tilespmem:v11+s31+$0x0] =	vst.idx.msk $0xffff, v2;
	v2 =	vor.u32 s21, v62  }
0x17e: {  	[tilespmem:v63+s31+$0x0] =	vst.idx.msk $0xffff, v3;
	v3 =	vor.u32 $0x1C32, v1  }
0x17f: {  	v5 =	vld.idx.msk [tilespmem:v58+s0+$0x0], $0xffff;
	v3 =	vor.u32 s21, v3  }
0x180: {  	v6 =	vld.idx.msk [tilespmem:v59+s0+$0x0], $0xffff  }
0x181: {  	v8 =	vld.idx.msk [tilespmem:v4+s31+$0x0], $0xffff  }
0x182: {  	v9 =	vld.idx.msk [tilespmem:v2+s31+$0x0], $0xffff  }
0x183: {  	v63 =	vld.idx.msk [tilespmem:v60+s0+$0x0], $0xffff  }
0x184: {  	v11 =	vld.idx.msk [tilespmem:v3+s31+$0x0], $0xffff;
	_ =	sdelay $0x2  }
0x185: {  	v5 =	vsub.f32 v8, v5;
	v6 =	vsub.f32 v9, v6;
	_ =	sdelay $0x1  }
0x186: {  	v9 =	vmul.f32 v5, v5;
	v8 =	vsub.f32 v11, v63;
	v63 =	vmul.f32 v6, v6;
	_ =	sdelay $0x1  }
0x187: {  	v9 =	vadd.f32 v63, v9;
	v63 =	vmul.f32 v8, v8;
	_ =	sdelay $0x1  }
0x188: {  	v9 =	vadd.f32 v63, v9;
	_ =	sdelay $0x1  }
0x189: {  	v10 =	vshrl.u32 v9, $0x1;
	v11 =	vmul.f32 $5.000000000e-01, v9  }
0x18a: {  	v10 =	vsub.s32 $0x5F3759DF, v10  }
0x18b: {  	v63 =	vmul.f32 v10, v11;
	_ =	sdelay $0x1  }
0x18c: {  	v63 =	vmul.f32 v10, v63;
	_ =	sdelay $0x1  }
0x18d: {  	v63 =	vsub.f32 $1.500000000e+00, v63;
	_ =	sdelay $0x1  }
0x18e: {  	v10 =	vmul.f32 v10, v63;
	_ =	sdelay $0x1  }
0x18f: {  	v63 =	vmul.f32 v10, v11;
	_ =	sdelay $0x1  }
0x190: {  	v63 =	vmul.f32 v63, v10;
	_ =	sdelay $0x1  }
0x191: {  	v63 =	vsub.f32 $1.500000000e+00, v63;
	_ =	sdelay $0x1  }
0x192: {  	v10 =	vmul.f32 v63, v10;
	_ =	sdelay $0x1  }
0x193: {  	v11 =	vmul.f32 v10, v11;
	_ =	sdelay $0x1  }
0x194: {  	v11 =	vmul.f32 v11, v10;
	_ =	sdelay $0x1  }
0x195: {  	v11 =	vsub.f32 $1.500000000e+00, v11;
	_ =	sdelay $0x1  }
0x196: {  	v63 =	vor.u32 $0x1C33, v1;
	v10 =	vmul.f32 v11, v10  }
0x197: {  	v11 =	vor.u32 s21, v63;
	v63 =	vor.u32 $0x1C34, v1  }
0x198: {  	v63 =	vor.u32 s21, v63;
	v9 =	vmul.f32 v10, v9  }
0x199: {  	[tilespmem:v4+s31+$0x0] =	vst.idx.msk $0xffff, v7;
	v4 =	vmul.f32 v10, v5  }
.Ltmp6:
0x19a: {  	[tilespmem:v2+s31+$0x0] =	vst.idx.msk $0xffff, v9;
	v2 =	vmul.f32 v10, v6;
	(pc) =	sbr.rel .LBB2_6-.Ltmp6, $4  }
0x19b: {  	[tilespmem:v3+s31+$0x0] =	vst.idx.msk $0xffff, v4;
	v3 =	vmul.f32 v10, v8  }
0x19c: {  	[tilespmem:v11+s31+$0x0] =	vst.idx.msk $0xffff, v2  }
0x19d: {  	s15 =	sshll.u32 @p2 s20, $0x8;
	s20 =	simm.s32 @p2 $0x80;
	s21 =	simm.s32 @p2 $0x9300;
	[tilespmem:v63+s31+$0x0] =	vst.idx.msk $0xffff, v3  }
0x19e: {  	[tilespmem:s21], [sflag:$0x2] =	stream.indirect.gather @p2 [hbm4b:s7+s20], $0x10, s15, s20, $0xb8;
	[tilespmem:$0x1FE80] =	vst v63  }
.LBB2_8:
0x19f: {  	_ =	sfence.sel $0x180000  }
0x1a0: {  	[bflag:$0x0] =	sbarrier.arrive $0xFFFF  }
0x1a1: {  	_ =	strace $0x90000047  }
0x1a2: {  	s0 =	stileid.u32;
	[bflag:$0x2] =	sbarrier.arrive $0xFFFF  }
0x1a3: {  	p0 =	sne.s32 s0, $0x0;
	s0 =	rddreg [dreg:$0x4]  }
0x1a4: {  	s0 =	sadd.s32 @!p0 $0x100000, s0  }
0x1a5: {  	[sflag:s0] =	ssyncadd.tile.s32 @!p0 $0x1;
	_ =	shalt  }
.Lfunc_end2:
_tile_overlayer_lowered:
.L_overlay_start_2:
0x1a6: {  	(tag) =	ssettag $0x2  }
0x1a7: {  	s0 =	rddreg [dreg:$0x0];
	s2 =	stileid.u32  }
0x1a8: {  	s1 =	rddreg [dreg:$0x1];
	p0 =	sne.s32 s2, $0x0  }
0x1a9: {  	s3 =	rddreg [dreg:$0x2];
	[bflag:$0x3] =	sbarrier.arrive $0xFFFF;
	s2 =	simm.s32 @!p0 $0x1C05  }
0x1aa: {  	[timem:s3], [sflag:s2] =	dma.local @!p0 [hbm:s0], s1  }
0x1ab: {  	s0 =	simm.s32 @!p0 $0x5  }
0x1ac: {  	_ =	swait.ge @!p0 [sflag:s0], s1  }
0x1ad: {  	s1 =	ssub.s32 @!p0 $0x0, s1;
	[sflag:s0] =	ssyncset.done @!p0 $0x0  }
0x1ae: {  	[sflag:s0] =	ssyncadd.s32 @!p0 s1  }
0x1af: {  	[bflag:$0x3] =	sbarrier.arrive $0xFFFF  }
0x1b0: {  	_ =	shalt  }

</sc_bundles>
